<compile_context>
chip_gen: v7x
topology: tpu7x:2x2x1
jax: 0.10.2.dev20260603
libtpu: 0.0.44.dev20260713+nightly
codegen_flags: <defaults>
</compile_context>

<pallas_src>
import dataclasses
import functools

import jax
import jax.numpy as jnp
from jax import lax
from jax.experimental import pallas as pl
from jax.experimental.pallas import tpu as pltpu
from jax.experimental.pallas import tpu_sc as plsc

N_NODES = 100000
N_EDGES = 3200000
N_TYPES = 8
EMBED_DIM = 16

NC = 2
NS = 16
NW = NC * NS
L = 16

CB = 128
NCHUNKS = N_EDGES // CB
CH_PER_TILE = -(-NCHUNKS // NW)

KS = N_NODES * N_TYPES


def _mesh():
    return plsc.VectorSubcoreMesh(
        core_axis_name="c", subcore_axis_name="s", num_cores=NC, num_subcores=NS
    )


def _sc_params(tc_tiling=True):
    cp = pltpu.CompilerParams()
    if "needs_layout_passes" in pltpu.CompilerParams.__dataclass_fields__:
        cp = dataclasses.replace(cp, needs_layout_passes=False)
    if not tc_tiling:
        cp = dataclasses.replace(cp, use_tc_tiling_on_sc=False)
    return cp


ZB = 10000


def _hist_body(packed_hbm, edges_hbm, zeros_hbm, out_hbm,
               packed_v, src_v, dst_v, k1_v, k2_v, ones_v, zb_v, acc_sh):
    cid = lax.axis_index("c")
    sid = lax.axis_index("s")
    wid = sid * NC + cid

    pltpu.sync_copy(packed_hbm, packed_v)
    @pl.loop(0, CB, step=L)
    def _(j):
        ones_v[0, pl.ds(j, L)] = jnp.ones((L,), jnp.float32)

    zn = KS // NS
    pltpu.sync_copy(zeros_hbm.at[pl.ds(0, ZB)], zb_v)

    @pl.loop(0, zn, step=ZB)
    def _(k):
        pltpu.sync_copy(zb_v, acc_sh.at[pl.ds(sid * zn + k, ZB)])

    plsc.subcore_barrier()

    @pl.loop(0, CH_PER_TILE)
    def _(i):
        ch = wid + i * NW

        @pl.when(ch < NCHUNKS)
        def _():
            off = ch * CB
            pltpu.sync_copy(edges_hbm.at[pl.ds(0, 1), pl.ds(off, CB)], src_v)
            pltpu.sync_copy(edges_hbm.at[pl.ds(1, 1), pl.ds(off, CB)], dst_v)

            @pl.loop(0, CB, step=L)
            def _(j):
                s = src_v[0, pl.ds(j, L)]
                d = dst_v[0, pl.ds(j, L)]
                ws = plsc.load_gather(packed_v, [lax.shift_right_logical(s, 2)])
                wd = plsc.load_gather(packed_v, [lax.shift_right_logical(d, 2)])
                ts = lax.shift_right_logical(
                    ws, lax.shift_left(s & 3, 3)) & 0xFF
                td = lax.shift_right_logical(
                    wd, lax.shift_left(d & 3, 3)) & 0xFF
                k1_v[0, pl.ds(j, L)] = d * N_TYPES + ts
                k2_v[0, pl.ds(j, L)] = s * N_TYPES + td

            pltpu.sync_copy(ones_v.at[0], acc_sh.at[k1_v.at[0]], add=True)
            pltpu.sync_copy(ones_v.at[0], acc_sh.at[k2_v.at[0]], add=True)

    plsc.subcore_barrier()

    @pl.loop(0, zn, step=ZB)
    def _(k):
        pltpu.sync_copy(acc_sh.at[pl.ds(sid * zn + k, ZB)], zb_v)
        pltpu.sync_copy(zb_v, out_hbm.at[pl.ds(cid * KS + sid * zn + k, ZB)])


def _stage1(packed, edges, zeros_flat):
    kern = pl.kernel(
        _hist_body,
        out_type=jax.ShapeDtypeStruct((NC * KS,), jnp.float32),
        mesh=_mesh(),
        compiler_params=_sc_params(),
        scratch_types=[
            pltpu.VMEM((N_NODES // 4,), jnp.int32),
            pltpu.VMEM((1, CB), jnp.int32),
            pltpu.VMEM((1, CB), jnp.int32),
            pltpu.VMEM((1, CB), jnp.int32),
            pltpu.VMEM((1, CB), jnp.int32),
            pltpu.VMEM((1, CB), jnp.float32),
            pltpu.VMEM((ZB,), jnp.float32),
            pltpu.VMEM_SHARED((KS,), jnp.float32),
        ],
    )
    return kern(packed, edges, zeros_flat)


def _add_body(p_ref, o_ref):
    o_ref[...] = p_ref[0] + p_ref[1]


def _combine(p):
    return pl.pallas_call(
        _add_body,
        out_shape=jax.ShapeDtypeStruct((KS // 128, 128), jnp.float32),
    )(p.reshape(NC, KS // 128, 128))


RB = 1000
NRCH = N_NODES // RB
NRCH_PER_TILE = -(-NRCH // NS)


def _prop_body(c1_hbm, edges_hbm, zeros_hbm, out_hbm,
               src_v, dst_v, rows_a, rows_b, rb_v, acc_sh, sem_a, sem_b):
    cid = lax.axis_index("c")
    sid = lax.axis_index("s")
    wid = sid * NC + cid

    pltpu.sync_copy(zeros_hbm.at[pl.ds(0, RB), :], rb_v)

    @pl.loop(0, NRCH_PER_TILE)
    def _(j):
        rch = sid + j * NS

        @pl.when(rch < NRCH)
        def _():
            pltpu.sync_copy(rb_v, acc_sh.at[pl.ds(rch * RB, RB), :])

    plsc.subcore_barrier()

    @pl.loop(0, CH_PER_TILE)
    def _(i):
        ch = wid + i * NW

        @pl.when(ch < NCHUNKS)
        def _():
            off = ch * CB
            pltpu.sync_copy(edges_hbm.at[pl.ds(0, 1), pl.ds(off, CB)], src_v)
            pltpu.sync_copy(edges_hbm.at[pl.ds(1, 1), pl.ds(off, CB)], dst_v)
            cp_a = pltpu.async_copy(c1_hbm.at[src_v.at[0]], rows_a, sem_a)
            cp_b = pltpu.async_copy(c1_hbm.at[dst_v.at[0]], rows_b, sem_b)
            cp_a.wait()
            cp_b.wait()
            pltpu.sync_copy(rows_a, acc_sh.at[dst_v.at[0]], add=True)
            pltpu.sync_copy(rows_b, acc_sh.at[src_v.at[0]], add=True)

    plsc.subcore_barrier()

    @pl.loop(0, NRCH_PER_TILE)
    def _(j):
        rch = sid + j * NS

        @pl.when(rch < NRCH)
        def _():
            pltpu.sync_copy(acc_sh.at[pl.ds(rch * RB, RB), :], rb_v)
            pltpu.sync_copy(
                rb_v, out_hbm.at[pl.ds(cid * N_NODES + rch * RB, RB), :])


def _stage3(c1, edges, zeros_rows):
    kern = pl.kernel(
        _prop_body,
        out_type=jax.ShapeDtypeStruct((NC * N_NODES, N_TYPES), jnp.float32),
        mesh=_mesh(),
        compiler_params=_sc_params(tc_tiling=False),
        scratch_types=[
            pltpu.VMEM((1, CB), jnp.int32),
            pltpu.VMEM((1, CB), jnp.int32),
            pltpu.VMEM((CB, N_TYPES), jnp.float32),
            pltpu.VMEM((CB, N_TYPES), jnp.float32),
            pltpu.VMEM((RB, N_TYPES), jnp.float32),
            pltpu.VMEM_SHARED((N_NODES, N_TYPES), jnp.float32),
            pltpu.SemaphoreType.DMA,
            pltpu.SemaphoreType.DMA,
        ],
    )
    return kern(c1, edges, zeros_rows)


NB = 1000
NBCHUNKS = N_NODES // NB
NB_PER_TILE = -(-NBCHUNKS // NW)


def _final_body(p2_hbm, types_hbm, emb_hbm, out_hbm,
                a_v, b_v, s_v, t_v, e_v, o_v):
    cid = lax.axis_index("c")
    sid = lax.axis_index("s")
    wid = sid * NC + cid

    pltpu.sync_copy(emb_hbm, e_v)
    e_rows = [e_v[pl.ds(t * EMBED_DIM, L)] for t in range(N_TYPES)]
    lane = lax.iota(jnp.int32, L)

    @pl.loop(0, NB_PER_TILE)
    def _(i):
        ch = wid + i * NW

        @pl.when(ch < NBCHUNKS)
        def _():
            noff = ch * NB
            pltpu.sync_copy(
                p2_hbm.at[pl.ds(noff * N_TYPES, NB * N_TYPES)], a_v)
            pltpu.sync_copy(
                p2_hbm.at[pl.ds(KS + noff * N_TYPES, NB * N_TYPES)], b_v)
            pltpu.sync_copy(types_hbm.at[pl.ds(noff, NB)], t_v)

            @pl.loop(0, NB * N_TYPES, step=L)
            def _(j):
                n_vec = lax.shift_right_logical(j + lane, 3)
                t_rep = plsc.load_gather(t_v, [n_vec])
                f = jnp.where(t_rep == 0, 1.0, 0.0).astype(jnp.float32)
                s_v[pl.ds(j, L)] = (a_v[pl.ds(j, L)] + b_v[pl.ds(j, L)]) * f

            @pl.loop(0, NB)
            def _(n):
                acc = jnp.zeros((L,), jnp.float32)
                for t in range(N_TYPES):
                    st = plsc.load_gather(
                        s_v, [jnp.full((L,), n * N_TYPES + t, jnp.int32)])
                    acc = acc + st * e_rows[t]
                o_v[pl.ds(n * EMBED_DIM, L)] = acc

            pltpu.sync_copy(
                o_v, out_hbm.at[pl.ds(noff * EMBED_DIM, NB * EMBED_DIM)])


def _stage4(p2_flat, types, emb_flat):
    kern = pl.kernel(
        _final_body,
        out_type=jax.ShapeDtypeStruct((N_NODES * EMBED_DIM,), jnp.float32),
        mesh=_mesh(),
        compiler_params=_sc_params(),
        scratch_types=[
            pltpu.VMEM((NB * N_TYPES,), jnp.float32),
            pltpu.VMEM((NB * N_TYPES,), jnp.float32),
            pltpu.VMEM((NB * N_TYPES,), jnp.float32),
            pltpu.VMEM((NB,), jnp.int32),
            pltpu.VMEM((N_TYPES * EMBED_DIM,), jnp.float32),
            pltpu.VMEM((NB * EMBED_DIM,), jnp.float32),
        ],
    )
    return kern(p2_flat, types, emb_flat)


def kernel(node_type_ids, edge_index, ntype_embed):
    types = node_type_ids.astype(jnp.int32)
    edges = edge_index.astype(jnp.int32)
    zeros_flat = jnp.zeros((KS,), jnp.float32)
    t4 = types.reshape(N_NODES // 4, 4)
    packed = t4[:, 0] | (t4[:, 1] << 8) | (t4[:, 2] << 16) | (t4[:, 3] << 24)

    p1 = _stage1(packed, edges, zeros_flat)
    c1 = _combine(p1).reshape(N_NODES, N_TYPES)
    p2 = _stage3(c1, edges, zeros_flat.reshape(N_NODES, N_TYPES))
    out_flat = _stage4(p2.reshape(NC * KS), types, ntype_embed.reshape(-1))
    return out_flat.reshape(N_NODES, EMBED_DIM)

# --- scband reference (transcript-rebuilt; emitter-appended) ---
"""Pipeline reference for scband-node-type-embedding-25623774888162 (READ-ONLY COPY).

The authoritative reference and input builder live on the scoring server;
editing this copy changes nothing except your own understanding.
"""

import jax, jax.numpy as jnp
import numpy as np

NUM_N_TYPES = 8
NUM_PROPS = 2
EMBED_DIM = 16
N_NODES = 100000
N_EDGES = 3200000


def setup_inputs(seed: int = 0) -> dict:
    key = jax.random.key(seed)
    k1, k2, k3 = jax.random.split(key, 3)
    node_type_ids = jax.random.randint(k1, (N_NODES,), 0, NUM_N_TYPES, dtype=jnp.int64) if jax.config.read('jax_enable_x64') else jax.random.randint(k1, (N_NODES,), 0, NUM_N_TYPES, dtype=jnp.int32)
    edge_index = jax.random.randint(k2, (2, N_EDGES), 0, N_NODES, dtype=jnp.int32)
    # learned parameter: nn.Embedding(num_n_types, embed_dim)
    ntype_embed = jax.random.normal(k3, (NUM_N_TYPES, EMBED_DIM), dtype=jnp.float32)
    return {"node_type_ids": node_type_ids, "edge_index": edge_index, "ntype_embed": ntype_embed}


def reference(node_type_ids, edge_index, ntype_embed):
    N = node_type_ids.shape[0]
    # h[v] = ntype_embed[node_type_of_v]  (the per-type scatter in the torch code
    # is equivalent to a gather of the embedding row for each node's type)
    h = jnp.take(ntype_embed, node_type_ids, axis=0)
    # dgl.add_reverse_edges: append reversed copies of every edge
    src = edge_index[0]
    dst = edge_index[1]
    src_all = jnp.concatenate([src, dst], axis=0)
    dst_all = jnp.concatenate([dst, src], axis=0)
    # num_props rounds of update_all(copy_src('h','m'), sum('m','h_new'))
    for _ in range(NUM_PROPS):
        msgs = jnp.take(h, src_all, axis=0)
        h = jax.ops.segment_sum(msgs, dst_all, num_segments=N)
    # return h[ntype == 0]; realized shape-stably as a masked output over all nodes
    mask = (node_type_ids == 0).astype(h.dtype)
    return h * mask[:, None]

if __name__ == "__main__":
    import jax
    _d = setup_inputs()
    print(jax.jit(kernel)(*tuple(_d.values())))

</pallas_src>

<mosaic_0001>
#map = affine_map<(d0, d1) -> (0)>
#map1 = affine_map<(d0, d1) -> (0, 0)>
module attributes {stable_mosaic.version = 14 : i64} {
  func.func @_hist_body(%arg0: i32, %arg1: i32, %arg2: memref<25000xi32, #tpu.memory_space<hbm>>, %arg3: memref<2x3200000xi32, #tpu.memory_space<hbm>>, %arg4: memref<800000xf32, #tpu.memory_space<hbm>>, %arg5: memref<1600000xf32, #tpu.memory_space<hbm>>, %arg6: memref<25000xi32, #tpu.memory_space<vmem>>, %arg7: memref<1x128xi32, #tpu.memory_space<vmem>>, %arg8: memref<1x128xi32, #tpu.memory_space<vmem>>, %arg9: memref<1x128xi32, #tpu.memory_space<vmem>>, %arg10: memref<1x128xi32, #tpu.memory_space<vmem>>, %arg11: memref<1x128xf32, #tpu.memory_space<vmem>>, %arg12: memref<10000xf32, #tpu.memory_space<vmem>>, %arg13: memref<800000xf32, #tpu.memory_space<vmem_shared>>) attributes {dimension_semantics = [#tpu.dimension_semantics<core_parallel>, #tpu.dimension_semantics<subcore_parallel>], iteration_bounds = array<i64: 2, 16>, scalar_prefetch = 0 : i64, scratch_operands = 8 : i64, tpu.core_type = #tpu.core_type<sc_vector_subcore>, window_params = [{transform_indices = #map}, {transform_indices = #map1}, {transform_indices = #map}, {transform_indices = #map}]} {
    %mul3A = arith.constant 2 : i32
    %mul3A_0 = arith.muli %arg1, %mul3A : i32
    %add3A = arith.addi %mul3A_0, %arg0 : i32
    "tpu.region"() ({
      %run_scoped3A = tpu.sem_alloc : memref<!tpu.dma_semaphore, #tpu.memory_space<semaphore_mem>>
      tpu.enqueue_dma source(%arg2 : memref<25000xi32, #tpu.memory_space<hbm>>) target(%arg6 : memref<25000xi32, #tpu.memory_space<vmem>>) target_semaphore(%run_scoped3A : memref<!tpu.dma_semaphore, #tpu.memory_space<semaphore_mem>>)
      tpu.wait_dma2 semaphore(%run_scoped3A : memref<!tpu.dma_semaphore, #tpu.memory_space<semaphore_mem>>) src(%arg2 : memref<25000xi32, #tpu.memory_space<hbm>>) dst(%arg6 : memref<25000xi32, #tpu.memory_space<vmem>>)
      tpu.yield
    }) : () -> ()
    %scan3A = arith.constant 0 : i32
    %scan3A_1 = arith.constant 8 : i32
    %scan3A_2 = arith.addi %scan3A, %scan3A_1 : i32
    %scan3A_3 = arith.constant 1 : i32
    scf.for %scan3A_21 = %scan3A to %scan3A_2 step %scan3A_3  : i32 {
      %mul3A_22 = arith.constant 16 : i32
      %mul3A_23 = arith.muli %scan3A_21, %mul3A_22 : i32
      %add3A_24 = arith.constant 0 : i32
      %add3A_25 = arith.addi %add3A_24, %mul3A_23 : i32
      %broadcast_in_dim3A = arith.constant 1.000000e+00 : f32
      %broadcast_in_dim3A_26 = vector.broadcast %broadcast_in_dim3A : f32 to vector<16xf32>
      %swap3A = arith.constant 0 : i32
      %swap3A_27 = arith.index_cast %swap3A : i32 to index
      %swap3A_28 = arith.index_cast %add3A_25 : i32 to index
      %swap3A_29 = tpu.vector_load %arg11[%swap3A_27, %swap3A_28] {strides = array<i32>} : memref<1x128xf32, #tpu.memory_space<vmem>>, vector<16xf32>,
      tpu.vector_store %arg11[%swap3A_27, %swap3A_28], %broadcast_in_dim3A_26 {strides = array<i32>} : memref<1x128xf32, #tpu.memory_space<vmem>>, vector<16xf32>,
    }
    %scan3A_4 = arith.constant 8 : i32
    "tpu.region"() ({
      %run_scoped3A = tpu.sem_alloc : memref<!tpu.dma_semaphore, #tpu.memory_space<semaphore_mem>>
      %dma_start3A = arith.constant 0 : i32
      %dma_start3A_21 = tpu.memref_slice %arg4[%dma_start3A] : memref<800000xf32, #tpu.memory_space<hbm>> -> memref<10000xf32, #tpu.memory_space<hbm>>
      %dma_start3A_22 = arith.constant 0 : i32
      %dma_start3A_23 = tpu.memref_slice %arg4[%dma_start3A_22] : memref<800000xf32, #tpu.memory_space<hbm>> -> memref<10000xf32, #tpu.memory_space<hbm>>
      tpu.enqueue_dma source(%dma_start3A_23 : memref<10000xf32, #tpu.memory_space<hbm>>) target(%arg12 : memref<10000xf32, #tpu.memory_space<vmem>>) target_semaphore(%run_scoped3A : memref<!tpu.dma_semaphore, #tpu.memory_space<semaphore_mem>>)
      %dma_wait3A = arith.constant 0 : i32
      %dma_wait3A_24 = tpu.memref_slice %arg4[%dma_wait3A] : memref<800000xf32, #tpu.memory_space<hbm>> -> memref<10000xf32, #tpu.memory_space<hbm>>
      %dma_wait3A_25 = arith.constant 0 : i32
      %dma_wait3A_26 = tpu.memref_slice %arg4[%dma_wait3A_25] : memref<800000xf32, #tpu.memory_space<hbm>> -> memref<10000xf32, #tpu.memory_space<hbm>>
      tpu.wait_dma2 semaphore(%run_scoped3A : memref<!tpu.dma_semaphore, #tpu.memory_space<semaphore_mem>>) src(%dma_wait3A_26 : memref<10000xf32, #tpu.memory_space<hbm>>) dst(%arg12 : memref<10000xf32, #tpu.memory_space<vmem>>)
      tpu.yield
    }) : () -> ()
    %scan3A_5 = arith.constant 0 : i32
    %scan3A_6 = arith.constant 5 : i32
    %scan3A_7 = arith.addi %scan3A_5, %scan3A_6 : i32
    %scan3A_8 = arith.constant 1 : i32
    scf.for %scan3A_21 = %scan3A_5 to %scan3A_7 step %scan3A_8  : i32 {
      %mul3A_22 = arith.constant 10000 : i32
      %mul3A_23 = arith.muli %scan3A_21, %mul3A_22 : i32
      %add3A_24 = arith.constant 0 : i32
      %add3A_25 = arith.addi %add3A_24, %mul3A_23 : i32
      %mul3A_26 = arith.constant 50000 : i32
      %mul3A_27 = arith.muli %arg1, %mul3A_26 : i32
      %add3A_28 = arith.addi %mul3A_27, %add3A_25 : i32
      "tpu.region"() ({
        %run_scoped3A = tpu.sem_alloc : memref<!tpu.dma_semaphore, #tpu.memory_space<semaphore_mem>>
        %dma_start3A = tpu.memref_slice %arg13[%add3A_28] : memref<800000xf32, #tpu.memory_space<vmem_shared>> -> memref<10000xf32, #tpu.memory_space<vmem_shared>>
        %dma_start3A_29 = tpu.memref_slice %arg13[%add3A_28] : memref<800000xf32, #tpu.memory_space<vmem_shared>> -> memref<10000xf32, #tpu.memory_space<vmem_shared>>
        tpu.enqueue_dma source(%arg12 : memref<10000xf32, #tpu.memory_space<vmem>>) target(%dma_start3A_29 : memref<10000xf32, #tpu.memory_space<vmem_shared>>) target_semaphore(%run_scoped3A : memref<!tpu.dma_semaphore, #tpu.memory_space<semaphore_mem>>)
        %dma_wait3A = tpu.memref_slice %arg13[%add3A_28] : memref<800000xf32, #tpu.memory_space<vmem_shared>> -> memref<10000xf32, #tpu.memory_space<vmem_shared>>
        %dma_wait3A_30 = tpu.memref_slice %arg13[%add3A_28] : memref<800000xf32, #tpu.memory_space<vmem_shared>> -> memref<10000xf32, #tpu.memory_space<vmem_shared>>
        tpu.wait_dma2 semaphore(%run_scoped3A : memref<!tpu.dma_semaphore, #tpu.memory_space<semaphore_mem>>) src(%arg12 : memref<10000xf32, #tpu.memory_space<vmem>>) dst(%dma_wait3A_30 : memref<10000xf32, #tpu.memory_space<vmem_shared>>)
        tpu.yield
      }) : () -> ()
    }
    %scan3A_9 = arith.constant 5 : i32
    %barrier3A = arith.constant 0 : index
    tpu.barrier barrier_id(%barrier3A)
    %scan3A_10 = arith.constant 0 : i32
    %scan3A_11 = arith.constant 782 : i32
    %scan3A_12 = arith.addi %scan3A_10, %scan3A_11 : i32
    %scan3A_13 = arith.constant 1 : i32
    scf.for %scan3A_21 = %scan3A_10 to %scan3A_12 step %scan3A_13  : i32 {
      %mul3A_22 = arith.constant 1 : i32
      %mul3A_23 = arith.muli %scan3A_21, %mul3A_22 : i32
      %add3A_24 = arith.constant 0 : i32
      %add3A_25 = arith.addi %add3A_24, %mul3A_23 : i32
      %mul3A_26 = arith.constant 32 : i32
      %mul3A_27 = arith.muli %add3A_25, %mul3A_26 : i32
      %add3A_28 = arith.addi %add3A, %mul3A_27 : i32
      %lt3A = arith.constant 25000 : i32
      %lt3A_29 = arith.cmpi slt, %add3A_28, %lt3A : i32
      %convert_element_type3A = arith.extui %lt3A_29 : i1 to i32
      %cond3A = arith.constant 0 : i32
      %cond3A_30 = arith.cmpi ne, %convert_element_type3A, %cond3A : i32
      scf.if %cond3A_30 {
        %mul3A_31 = arith.constant 128 : i32
        %mul3A_32 = arith.muli %add3A_28, %mul3A_31 : i32
        "tpu.region"() ({
          %run_scoped3A_41 = tpu.sem_alloc : memref<!tpu.dma_semaphore, #tpu.memory_space<semaphore_mem>>
          %dma_start3A = arith.constant 0 : i32
          %dma_start3A_42 = tpu.memref_slice %arg3[%dma_start3A, %mul3A_32] : memref<2x3200000xi32, #tpu.memory_space<hbm>> -> memref<1x128xi32, #tpu.memory_space<hbm>>
          %dma_start3A_43 = arith.constant 0 : i32
          %dma_start3A_44 = tpu.memref_slice %arg3[%dma_start3A_43, %mul3A_32] : memref<2x3200000xi32, #tpu.memory_space<hbm>> -> memref<1x128xi32, #tpu.memory_space<hbm>>
          tpu.enqueue_dma source(%dma_start3A_44 : memref<1x128xi32, #tpu.memory_space<hbm>>) target(%arg7 : memref<1x128xi32, #tpu.memory_space<vmem>>) target_semaphore(%run_scoped3A_41 : memref<!tpu.dma_semaphore, #tpu.memory_space<semaphore_mem>>)
          %dma_wait3A = arith.constant 0 : i32
          %dma_wait3A_45 = tpu.memref_slice %arg3[%dma_wait3A, %mul3A_32] : memref<2x3200000xi32, #tpu.memory_space<hbm>> -> memref<1x128xi32, #tpu.memory_space<hbm>>
          %dma_wait3A_46 = arith.constant 0 : i32
          %dma_wait3A_47 = tpu.memref_slice %arg3[%dma_wait3A_46, %mul3A_32] : memref<2x3200000xi32, #tpu.memory_space<hbm>> -> memref<1x128xi32, #tpu.memory_space<hbm>>
          tpu.wait_dma2 semaphore(%run_scoped3A_41 : memref<!tpu.dma_semaphore, #tpu.memory_space<semaphore_mem>>) src(%dma_wait3A_47 : memref<1x128xi32, #tpu.memory_space<hbm>>) dst(%arg7 : memref<1x128xi32, #tpu.memory_space<vmem>>)
          tpu.yield
        }) : () -> ()
        "tpu.region"() ({
          %run_scoped3A_41 = tpu.sem_alloc : memref<!tpu.dma_semaphore, #tpu.memory_space<semaphore_mem>>
          %dma_start3A = arith.constant 1 : i32
          %dma_start3A_42 = tpu.memref_slice %arg3[%dma_start3A, %mul3A_32] : memref<2x3200000xi32, #tpu.memory_space<hbm>> -> memref<1x128xi32, #tpu.memory_space<hbm>>
          %dma_start3A_43 = arith.constant 1 : i32
          %dma_start3A_44 = tpu.memref_slice %arg3[%dma_start3A_43, %mul3A_32] : memref<2x3200000xi32, #tpu.memory_space<hbm>> -> memref<1x128xi32, #tpu.memory_space<hbm>>
          tpu.enqueue_dma source(%dma_start3A_44 : memref<1x128xi32, #tpu.memory_space<hbm>>) target(%arg8 : memref<1x128xi32, #tpu.memory_space<vmem>>) target_semaphore(%run_scoped3A_41 : memref<!tpu.dma_semaphore, #tpu.memory_space<semaphore_mem>>)
          %dma_wait3A = arith.constant 1 : i32
          %dma_wait3A_45 = tpu.memref_slice %arg3[%dma_wait3A, %mul3A_32] : memref<2x3200000xi32, #tpu.memory_space<hbm>> -> memref<1x128xi32, #tpu.memory_space<hbm>>
          %dma_wait3A_46 = arith.constant 1 : i32
          %dma_wait3A_47 = tpu.memref_slice %arg3[%dma_wait3A_46, %mul3A_32] : memref<2x3200000xi32, #tpu.memory_space<hbm>> -> memref<1x128xi32, #tpu.memory_space<hbm>>
          tpu.wait_dma2 semaphore(%run_scoped3A_41 : memref<!tpu.dma_semaphore, #tpu.memory_space<semaphore_mem>>) src(%dma_wait3A_47 : memref<1x128xi32, #tpu.memory_space<hbm>>) dst(%arg8 : memref<1x128xi32, #tpu.memory_space<vmem>>)
          tpu.yield
        }) : () -> ()
        %scan3A_33 = arith.constant 0 : i32
        %scan3A_34 = arith.constant 8 : i32
        %scan3A_35 = arith.addi %scan3A_33, %scan3A_34 : i32
        %scan3A_36 = arith.constant 1 : i32
        scf.for %scan3A_41 = %scan3A_33 to %scan3A_35 step %scan3A_36  : i32 {
          %mul3A_42 = arith.constant 16 : i32
          %mul3A_43 = arith.muli %scan3A_41, %mul3A_42 : i32
          %add3A_44 = arith.constant 0 : i32
          %add3A_45 = arith.addi %add3A_44, %mul3A_43 : i32
          %get3A = arith.constant 0 : i32
          %get3A_46 = arith.index_cast %get3A : i32 to index
          %get3A_47 = arith.index_cast %add3A_45 : i32 to index
          %get3A_48 = tpu.vector_load %arg7[%get3A_46, %get3A_47] {strides = array<i32>} : memref<1x128xi32, #tpu.memory_space<vmem>>, vector<16xi32>,
          %get3A_49 = arith.constant 0 : i32
          %get3A_50 = arith.index_cast %get3A_49 : i32 to index
          %get3A_51 = arith.index_cast %add3A_45 : i32 to index
          %get3A_52 = tpu.vector_load %arg8[%get3A_50, %get3A_51] {strides = array<i32>} : memref<1x128xi32, #tpu.memory_space<vmem>>, vector<16xi32>,
          %shift_right_logical3A = arith.constant 2 : i32
          %shift_right_logical3A_53 = vector.broadcast %shift_right_logical3A : i32 to vector<16xi32>
          %shift_right_logical3A_54 = arith.shrui %get3A_48, %shift_right_logical3A_53 : vector<16xi32>
          %gather3A = tpu.vector_load_idx %arg6[%shift_right_logical3A_54] : memref<25000xi32, #tpu.memory_space<vmem>>[vector<16xi32>], vector<16xi32>,
          %shift_right_logical3A_55 = arith.constant 2 : i32
          %shift_right_logical3A_56 = vector.broadcast %shift_right_logical3A_55 : i32 to vector<16xi32>
          %shift_right_logical3A_57 = arith.shrui %get3A_52, %shift_right_logical3A_56 : vector<16xi32>
          %gather3A_58 = tpu.vector_load_idx %arg6[%shift_right_logical3A_57] : memref<25000xi32, #tpu.memory_space<vmem>>[vector<16xi32>], vector<16xi32>,
          %and3A = arith.constant 3 : i32
          %and3A_59 = vector.broadcast %and3A : i32 to vector<16xi32>
          %and3A_60 = arith.andi %get3A_48, %and3A_59 : vector<16xi32>
          %shift_left3A = arith.constant 3 : i32
          %shift_left3A_61 = vector.broadcast %shift_left3A : i32 to vector<16xi32>
          %shift_left3A_62 = arith.shli %and3A_60, %shift_left3A_61 : vector<16xi32>
          %shift_right_logical3A_63 = arith.shrui %gather3A, %shift_left3A_62 : vector<16xi32>
          %and3A_64 = arith.constant 255 : i32
          %and3A_65 = vector.broadcast %and3A_64 : i32 to vector<16xi32>
          %and3A_66 = arith.andi %shift_right_logical3A_63, %and3A_65 : vector<16xi32>
          %and3A_67 = arith.constant 3 : i32
          %and3A_68 = vector.broadcast %and3A_67 : i32 to vector<16xi32>
          %and3A_69 = arith.andi %get3A_52, %and3A_68 : vector<16xi32>
          %shift_left3A_70 = arith.constant 3 : i32
          %shift_left3A_71 = vector.broadcast %shift_left3A_70 : i32 to vector<16xi32>
          %shift_left3A_72 = arith.shli %and3A_69, %shift_left3A_71 : vector<16xi32>
          %shift_right_logical3A_73 = arith.shrui %gather3A_58, %shift_left3A_72 : vector<16xi32>
          %and3A_74 = arith.constant 255 : i32
          %and3A_75 = vector.broadcast %and3A_74 : i32 to vector<16xi32>
          %and3A_76 = arith.andi %shift_right_logical3A_73, %and3A_75 : vector<16xi32>
          %mul3A_77 = arith.constant 8 : i32
          %mul3A_78 = vector.broadcast %mul3A_77 : i32 to vector<16xi32>
          %mul3A_79 = arith.muli %get3A_52, %mul3A_78 : vector<16xi32>
          %add3A_80 = arith.addi %mul3A_79, %and3A_66 : vector<16xi32>
          %swap3A = arith.constant 0 : i32
          %swap3A_81 = arith.index_cast %swap3A : i32 to index
          %swap3A_82 = arith.index_cast %add3A_45 : i32 to index
          %swap3A_83 = tpu.vector_load %arg9[%swap3A_81, %swap3A_82] {strides = array<i32>} : memref<1x128xi32, #tpu.memory_space<vmem>>, vector<16xi32>,
          tpu.vector_store %arg9[%swap3A_81, %swap3A_82], %add3A_80 {strides = array<i32>} : memref<1x128xi32, #tpu.memory_space<vmem>>, vector<16xi32>,
          %mul3A_84 = arith.constant 8 : i32
          %mul3A_85 = vector.broadcast %mul3A_84 : i32 to vector<16xi32>
          %mul3A_86 = arith.muli %get3A_48, %mul3A_85 : vector<16xi32>
          %add3A_87 = arith.addi %mul3A_86, %and3A_76 : vector<16xi32>
          %swap3A_88 = arith.constant 0 : i32
          %swap3A_89 = arith.index_cast %swap3A_88 : i32 to index
          %swap3A_90 = arith.index_cast %add3A_45 : i32 to index
          %swap3A_91 = tpu.vector_load %arg10[%swap3A_89, %swap3A_90] {strides = array<i32>} : memref<1x128xi32, #tpu.memory_space<vmem>>, vector<16xi32>,
          tpu.vector_store %arg10[%swap3A_89, %swap3A_90], %add3A_87 {strides = array<i32>} : memref<1x128xi32, #tpu.memory_space<vmem>>, vector<16xi32>,
        }
        %scan3A_37 = arith.constant 8 : i32
        %run_scoped3A = arith.constant 0 : i32
        %run_scoped3A_38 = arith.constant 0 : i32
        "tpu.region"() ({
          %run_scoped3A_41 = tpu.sem_alloc : memref<!tpu.dma_semaphore, #tpu.memory_space<semaphore_mem>>
          %dma_start3A = arith.constant 0 : i32
          %dma_start3A_42 = tpu.memref_slice %arg11[%run_scoped3A, %dma_start3A] : memref<1x128xf32, #tpu.memory_space<vmem>> -> memref<1x128xf32, #tpu.memory_space<vmem>>
          %dma_start3A_43 = tpu.memref_squeeze %dma_start3A_42 : memref<1x128xf32, #tpu.memory_space<vmem>> -> memref<128xf32, #tpu.memory_space<vmem>>
          %dma_start3A_44 = arith.constant 0 : i32
          %dma_start3A_45 = tpu.memref_slice %arg9[%run_scoped3A_38, %dma_start3A_44] : memref<1x128xi32, #tpu.memory_space<vmem>> -> memref<1x128xi32, #tpu.memory_space<vmem>>
          %dma_start3A_46 = tpu.memref_squeeze %dma_start3A_45 : memref<1x128xi32, #tpu.memory_space<vmem>> -> memref<128xi32, #tpu.memory_space<vmem>>
          %dma_start3A_47 = arith.constant 0 : i32
          %dma_start3A_48 = tpu.memref_slice %arg13[%dma_start3A_47] : memref<800000xf32, #tpu.memory_space<vmem_shared>> -> memref<800000xf32, #tpu.memory_space<vmem_shared>>
          tpu.enqueue_indirect_dma source(%dma_start3A_43 : memref<128xf32, #tpu.memory_space<vmem>>) target(%dma_start3A_48 : memref<800000xf32, #tpu.memory_space<vmem_shared>>) offsets(%dma_start3A_46 : memref<128xi32, #tpu.memory_space<vmem>>) semaphore(%run_scoped3A_41 : memref<!tpu.dma_semaphore, #tpu.memory_space<semaphore_mem>>) {add = true}
          %dma_wait3A = arith.constant 0 : i32
          %dma_wait3A_49 = tpu.memref_slice %arg11[%run_scoped3A, %dma_wait3A] : memref<1x128xf32, #tpu.memory_space<vmem>> -> memref<1x128xf32, #tpu.memory_space<vmem>>
          %dma_wait3A_50 = tpu.memref_squeeze %dma_wait3A_49 : memref<1x128xf32, #tpu.memory_space<vmem>> -> memref<128xf32, #tpu.memory_space<vmem>>
          %dma_wait3A_51 = arith.constant 0 : i32
          %dma_wait3A_52 = tpu.memref_slice %arg9[%run_scoped3A_38, %dma_wait3A_51] : memref<1x128xi32, #tpu.memory_space<vmem>> -> memref<1x128xi32, #tpu.memory_space<vmem>>
          %dma_wait3A_53 = tpu.memref_squeeze %dma_wait3A_52 : memref<1x128xi32, #tpu.memory_space<vmem>> -> memref<128xi32, #tpu.memory_space<vmem>>
          %dma_wait3A_54 = arith.constant 0 : i32
          %dma_wait3A_55 = tpu.memref_slice %arg13[%dma_wait3A_54] : memref<800000xf32, #tpu.memory_space<vmem_shared>> -> memref<800000xf32, #tpu.memory_space<vmem_shared>>
          tpu.wait_indirect_dma semaphore(%run_scoped3A_41 : memref<!tpu.dma_semaphore, #tpu.memory_space<semaphore_mem>>) src(%dma_wait3A_50 : memref<128xf32, #tpu.memory_space<vmem>>) dst(%dma_wait3A_55 : memref<800000xf32, #tpu.memory_space<vmem_shared>>)
          tpu.yield
        }) : () -> ()
        %run_scoped3A_39 = arith.constant 0 : i32
        %run_scoped3A_40 = arith.constant 0 : i32
        "tpu.region"() ({
          %run_scoped3A_41 = tpu.sem_alloc : memref<!tpu.dma_semaphore, #tpu.memory_space<semaphore_mem>>
          %dma_start3A = arith.constant 0 : i32
          %dma_start3A_42 = tpu.memref_slice %arg11[%run_scoped3A_39, %dma_start3A] : memref<1x128xf32, #tpu.memory_space<vmem>> -> memref<1x128xf32, #tpu.memory_space<vmem>>
          %dma_start3A_43 = tpu.memref_squeeze %dma_start3A_42 : memref<1x128xf32, #tpu.memory_space<vmem>> -> memref<128xf32, #tpu.memory_space<vmem>>
          %dma_start3A_44 = arith.constant 0 : i32
          %dma_start3A_45 = tpu.memref_slice %arg10[%run_scoped3A_40, %dma_start3A_44] : memref<1x128xi32, #tpu.memory_space<vmem>> -> memref<1x128xi32, #tpu.memory_space<vmem>>
          %dma_start3A_46 = tpu.memref_squeeze %dma_start3A_45 : memref<1x128xi32, #tpu.memory_space<vmem>> -> memref<128xi32, #tpu.memory_space<vmem>>
          %dma_start3A_47 = arith.constant 0 : i32
          %dma_start3A_48 = tpu.memref_slice %arg13[%dma_start3A_47] : memref<800000xf32, #tpu.memory_space<vmem_shared>> -> memref<800000xf32, #tpu.memory_space<vmem_shared>>
          tpu.enqueue_indirect_dma source(%dma_start3A_43 : memref<128xf32, #tpu.memory_space<vmem>>) target(%dma_start3A_48 : memref<800000xf32, #tpu.memory_space<vmem_shared>>) offsets(%dma_start3A_46 : memref<128xi32, #tpu.memory_space<vmem>>) semaphore(%run_scoped3A_41 : memref<!tpu.dma_semaphore, #tpu.memory_space<semaphore_mem>>) {add = true}
          %dma_wait3A = arith.constant 0 : i32
          %dma_wait3A_49 = tpu.memref_slice %arg11[%run_scoped3A_39, %dma_wait3A] : memref<1x128xf32, #tpu.memory_space<vmem>> -> memref<1x128xf32, #tpu.memory_space<vmem>>
          %dma_wait3A_50 = tpu.memref_squeeze %dma_wait3A_49 : memref<1x128xf32, #tpu.memory_space<vmem>> -> memref<128xf32, #tpu.memory_space<vmem>>
          %dma_wait3A_51 = arith.constant 0 : i32
          %dma_wait3A_52 = tpu.memref_slice %arg10[%run_scoped3A_40, %dma_wait3A_51] : memref<1x128xi32, #tpu.memory_space<vmem>> -> memref<1x128xi32, #tpu.memory_space<vmem>>
          %dma_wait3A_53 = tpu.memref_squeeze %dma_wait3A_52 : memref<1x128xi32, #tpu.memory_space<vmem>> -> memref<128xi32, #tpu.memory_space<vmem>>
          %dma_wait3A_54 = arith.constant 0 : i32
          %dma_wait3A_55 = tpu.memref_slice %arg13[%dma_wait3A_54] : memref<800000xf32, #tpu.memory_space<vmem_shared>> -> memref<800000xf32, #tpu.memory_space<vmem_shared>>
          tpu.wait_indirect_dma semaphore(%run_scoped3A_41 : memref<!tpu.dma_semaphore, #tpu.memory_space<semaphore_mem>>) src(%dma_wait3A_50 : memref<128xf32, #tpu.memory_space<vmem>>) dst(%dma_wait3A_55 : memref<800000xf32, #tpu.memory_space<vmem_shared>>)
          tpu.yield
        }) : () -> ()
      } else {
      }
    }
    %scan3A_14 = arith.constant 782 : i32
    %barrier3A_15 = arith.constant 0 : index
    tpu.barrier barrier_id(%barrier3A_15)
    %scan3A_16 = arith.constant 0 : i32
    %scan3A_17 = arith.constant 5 : i32
    %scan3A_18 = arith.addi %scan3A_16, %scan3A_17 : i32
    %scan3A_19 = arith.constant 1 : i32
    scf.for %scan3A_21 = %scan3A_16 to %scan3A_18 step %scan3A_19  : i32 {
      %mul3A_22 = arith.constant 10000 : i32
      %mul3A_23 = arith.muli %scan3A_21, %mul3A_22 : i32
      %add3A_24 = arith.constant 0 : i32
      %add3A_25 = arith.addi %add3A_24, %mul3A_23 : i32
      %mul3A_26 = arith.constant 50000 : i32
      %mul3A_27 = arith.muli %arg1, %mul3A_26 : i32
      %add3A_28 = arith.addi %mul3A_27, %add3A_25 : i32
      "tpu.region"() ({
        %run_scoped3A = tpu.sem_alloc : memref<!tpu.dma_semaphore, #tpu.memory_space<semaphore_mem>>
        %dma_start3A = tpu.memref_slice %arg13[%add3A_28] : memref<800000xf32, #tpu.memory_space<vmem_shared>> -> memref<10000xf32, #tpu.memory_space<vmem_shared>>
        %dma_start3A_35 = tpu.memref_slice %arg13[%add3A_28] : memref<800000xf32, #tpu.memory_space<vmem_shared>> -> memref<10000xf32, #tpu.memory_space<vmem_shared>>
        tpu.enqueue_dma source(%dma_start3A_35 : memref<10000xf32, #tpu.memory_space<vmem_shared>>) target(%arg12 : memref<10000xf32, #tpu.memory_space<vmem>>) target_semaphore(%run_scoped3A : memref<!tpu.dma_semaphore, #tpu.memory_space<semaphore_mem>>)
        %dma_wait3A = tpu.memref_slice %arg13[%add3A_28] : memref<800000xf32, #tpu.memory_space<vmem_shared>> -> memref<10000xf32, #tpu.memory_space<vmem_shared>>
        %dma_wait3A_36 = tpu.memref_slice %arg13[%add3A_28] : memref<800000xf32, #tpu.memory_space<vmem_shared>> -> memref<10000xf32, #tpu.memory_space<vmem_shared>>
        tpu.wait_dma2 semaphore(%run_scoped3A : memref<!tpu.dma_semaphore, #tpu.memory_space<semaphore_mem>>) src(%dma_wait3A_36 : memref<10000xf32, #tpu.memory_space<vmem_shared>>) dst(%arg12 : memref<10000xf32, #tpu.memory_space<vmem>>)
        tpu.yield
      }) : () -> ()
      %mul3A_29 = arith.constant 800000 : i32
      %mul3A_30 = arith.muli %arg0, %mul3A_29 : i32
      %mul3A_31 = arith.constant 50000 : i32
      %mul3A_32 = arith.muli %arg1, %mul3A_31 : i32
      %add3A_33 = arith.addi %mul3A_30, %mul3A_32 : i32
      %add3A_34 = arith.addi %add3A_33, %add3A_25 : i32
      "tpu.region"() ({
        %run_scoped3A = tpu.sem_alloc : memref<!tpu.dma_semaphore, #tpu.memory_space<semaphore_mem>>
        %dma_start3A = tpu.memref_slice %arg5[%add3A_34] : memref<1600000xf32, #tpu.memory_space<hbm>> -> memref<10000xf32, #tpu.memory_space<hbm>>
        %dma_start3A_35 = tpu.memref_slice %arg5[%add3A_34] : memref<1600000xf32, #tpu.memory_space<hbm>> -> memref<10000xf32, #tpu.memory_space<hbm>>
        tpu.enqueue_dma source(%arg12 : memref<10000xf32, #tpu.memory_space<vmem>>) target(%dma_start3A_35 : memref<10000xf32, #tpu.memory_space<hbm>>) target_semaphore(%run_scoped3A : memref<!tpu.dma_semaphore, #tpu.memory_space<semaphore_mem>>)
        %dma_wait3A = tpu.memref_slice %arg5[%add3A_34] : memref<1600000xf32, #tpu.memory_space<hbm>> -> memref<10000xf32, #tpu.memory_space<hbm>>
        %dma_wait3A_36 = tpu.memref_slice %arg5[%add3A_34] : memref<1600000xf32, #tpu.memory_space<hbm>> -> memref<10000xf32, #tpu.memory_space<hbm>>
        tpu.wait_dma2 semaphore(%run_scoped3A : memref<!tpu.dma_semaphore, #tpu.memory_space<semaphore_mem>>) src(%arg12 : memref<10000xf32, #tpu.memory_space<vmem>>) dst(%dma_wait3A_36 : memref<10000xf32, #tpu.memory_space<hbm>>)
        tpu.yield
      }) : () -> ()
    }
    %scan3A_20 = arith.constant 5 : i32
    return
  }
}

#map = affine_map<(d0, d1) -> (0)>
module attributes {stable_mosaic.version = 14 : i64} {
  func.func @_final_body(%arg0: i32, %arg1: i32, %arg2: memref<1600000xf32, #tpu.memory_space<hbm>>, %arg3: memref<100000xi32, #tpu.memory_space<hbm>>, %arg4: memref<128xf32, #tpu.memory_space<hbm>>, %arg5: memref<1600000xf32, #tpu.memory_space<hbm>>, %arg6: memref<8000xf32, #tpu.memory_space<vmem>>, %arg7: memref<8000xf32, #tpu.memory_space<vmem>>, %arg8: memref<8000xf32, #tpu.memory_space<vmem>>, %arg9: memref<1000xi32, #tpu.memory_space<vmem>>, %arg10: memref<128xf32, #tpu.memory_space<vmem>>, %arg11: memref<16000xf32, #tpu.memory_space<vmem>>) attributes {dimension_semantics = [#tpu.dimension_semantics<core_parallel>, #tpu.dimension_semantics<subcore_parallel>], iteration_bounds = array<i64: 2, 16>, scalar_prefetch = 0 : i64, scratch_operands = 6 : i64, tpu.core_type = #tpu.core_type<sc_vector_subcore>, window_params = [{transform_indices = #map}, {transform_indices = #map}, {transform_indices = #map}, {transform_indices = #map}]} {
    %mul3A = arith.constant 2 : i32
    %mul3A_0 = arith.muli %arg1, %mul3A : i32
    %add3A = arith.addi %mul3A_0, %arg0 : i32
    "tpu.region"() ({
      %run_scoped3A = tpu.sem_alloc : memref<!tpu.dma_semaphore, #tpu.memory_space<semaphore_mem>>
      tpu.enqueue_dma source(%arg4 : memref<128xf32, #tpu.memory_space<hbm>>) target(%arg10 : memref<128xf32, #tpu.memory_space<vmem>>) target_semaphore(%run_scoped3A : memref<!tpu.dma_semaphore, #tpu.memory_space<semaphore_mem>>)
      tpu.wait_dma2 semaphore(%run_scoped3A : memref<!tpu.dma_semaphore, #tpu.memory_space<semaphore_mem>>) src(%arg4 : memref<128xf32, #tpu.memory_space<hbm>>) dst(%arg10 : memref<128xf32, #tpu.memory_space<vmem>>)
      tpu.yield
    }) : () -> ()
    %get3A = arith.constant 0 : index
    %get3A_1 = tpu.vector_load %arg10[%get3A] {strides = array<i32>} : memref<128xf32, #tpu.memory_space<vmem>>, vector<16xf32>,
    %get3A_2 = arith.constant 16 : index
    %get3A_3 = tpu.vector_load %arg10[%get3A_2] {strides = array<i32>} : memref<128xf32, #tpu.memory_space<vmem>>, vector<16xf32>,
    %get3A_4 = arith.constant 32 : index
    %get3A_5 = tpu.vector_load %arg10[%get3A_4] {strides = array<i32>} : memref<128xf32, #tpu.memory_space<vmem>>, vector<16xf32>,
    %get3A_6 = arith.constant 48 : index
    %get3A_7 = tpu.vector_load %arg10[%get3A_6] {strides = array<i32>} : memref<128xf32, #tpu.memory_space<vmem>>, vector<16xf32>,
    %get3A_8 = arith.constant 64 : index
    %get3A_9 = tpu.vector_load %arg10[%get3A_8] {strides = array<i32>} : memref<128xf32, #tpu.memory_space<vmem>>, vector<16xf32>,
    %get3A_10 = arith.constant 80 : index
    %get3A_11 = tpu.vector_load %arg10[%get3A_10] {strides = array<i32>} : memref<128xf32, #tpu.memory_space<vmem>>, vector<16xf32>,
    %get3A_12 = arith.constant 96 : index
    %get3A_13 = tpu.vector_load %arg10[%get3A_12] {strides = array<i32>} : memref<128xf32, #tpu.memory_space<vmem>>, vector<16xf32>,
    %get3A_14 = arith.constant 112 : index
    %get3A_15 = tpu.vector_load %arg10[%get3A_14] {strides = array<i32>} : memref<128xf32, #tpu.memory_space<vmem>>, vector<16xf32>,
    %iota3A = tpu.iota {dimensions = array<i32: 0>} : vector<16xi32>
    %scan3A = arith.constant 0 : i32
    %scan3A_16 = arith.constant 4 : i32
    %scan3A_17 = arith.addi %scan3A, %scan3A_16 : i32
    %scan3A_18 = arith.constant 1 : i32
    scf.for %scan3A_20 = %scan3A to %scan3A_17 step %scan3A_18  : i32 {
      %mul3A_21 = arith.constant 1 : i32
      %mul3A_22 = arith.muli %scan3A_20, %mul3A_21 : i32
      %add3A_23 = arith.constant 0 : i32
      %add3A_24 = arith.addi %add3A_23, %mul3A_22 : i32
      %mul3A_25 = arith.constant 32 : i32
      %mul3A_26 = arith.muli %add3A_24, %mul3A_25 : i32
      %add3A_27 = arith.addi %add3A, %mul3A_26 : i32
      %lt3A = arith.constant 100 : i32
      %lt3A_28 = arith.cmpi slt, %add3A_27, %lt3A : i32
      %convert_element_type3A = arith.extui %lt3A_28 : i1 to i32
      %cond3A = arith.constant 0 : i32
      %cond3A_29 = arith.cmpi ne, %convert_element_type3A, %cond3A : i32
      scf.if %cond3A_29 {
        %mul3A_30 = arith.constant 1000 : i32
        %mul3A_31 = arith.muli %add3A_27, %mul3A_30 : i32
        %mul3A_32 = arith.constant 8 : i32
        %mul3A_33 = arith.muli %mul3A_31, %mul3A_32 : i32
        "tpu.region"() ({
          %run_scoped3A = tpu.sem_alloc : memref<!tpu.dma_semaphore, #tpu.memory_space<semaphore_mem>>
          %dma_start3A = tpu.memref_slice %arg2[%mul3A_33] : memref<1600000xf32, #tpu.memory_space<hbm>> -> memref<8000xf32, #tpu.memory_space<hbm>>
          %dma_start3A_50 = tpu.memref_slice %arg2[%mul3A_33] : memref<1600000xf32, #tpu.memory_space<hbm>> -> memref<8000xf32, #tpu.memory_space<hbm>>
          tpu.enqueue_dma source(%dma_start3A_50 : memref<8000xf32, #tpu.memory_space<hbm>>) target(%arg6 : memref<8000xf32, #tpu.memory_space<vmem>>) target_semaphore(%run_scoped3A : memref<!tpu.dma_semaphore, #tpu.memory_space<semaphore_mem>>)
          %dma_wait3A = tpu.memref_slice %arg2[%mul3A_33] : memref<1600000xf32, #tpu.memory_space<hbm>> -> memref<8000xf32, #tpu.memory_space<hbm>>
          %dma_wait3A_51 = tpu.memref_slice %arg2[%mul3A_33] : memref<1600000xf32, #tpu.memory_space<hbm>> -> memref<8000xf32, #tpu.memory_space<hbm>>
          tpu.wait_dma2 semaphore(%run_scoped3A : memref<!tpu.dma_semaphore, #tpu.memory_space<semaphore_mem>>) src(%dma_wait3A_51 : memref<8000xf32, #tpu.memory_space<hbm>>) dst(%arg6 : memref<8000xf32, #tpu.memory_space<vmem>>)
          tpu.yield
        }) : () -> ()
        %mul3A_34 = arith.constant 8 : i32
        %mul3A_35 = arith.muli %mul3A_31, %mul3A_34 : i32
        %add3A_36 = arith.constant 800000 : i32
        %add3A_37 = arith.addi %add3A_36, %mul3A_35 : i32
        "tpu.region"() ({
          %run_scoped3A = tpu.sem_alloc : memref<!tpu.dma_semaphore, #tpu.memory_space<semaphore_mem>>
          %dma_start3A = tpu.memref_slice %arg2[%add3A_37] : memref<1600000xf32, #tpu.memory_space<hbm>> -> memref<8000xf32, #tpu.memory_space<hbm>>
          %dma_start3A_50 = tpu.memref_slice %arg2[%add3A_37] : memref<1600000xf32, #tpu.memory_space<hbm>> -> memref<8000xf32, #tpu.memory_space<hbm>>
          tpu.enqueue_dma source(%dma_start3A_50 : memref<8000xf32, #tpu.memory_space<hbm>>) target(%arg7 : memref<8000xf32, #tpu.memory_space<vmem>>) target_semaphore(%run_scoped3A : memref<!tpu.dma_semaphore, #tpu.memory_space<semaphore_mem>>)
          %dma_wait3A = tpu.memref_slice %arg2[%add3A_37] : memref<1600000xf32, #tpu.memory_space<hbm>> -> memref<8000xf32, #tpu.memory_space<hbm>>
          %dma_wait3A_51 = tpu.memref_slice %arg2[%add3A_37] : memref<1600000xf32, #tpu.memory_space<hbm>> -> memref<8000xf32, #tpu.memory_space<hbm>>
          tpu.wait_dma2 semaphore(%run_scoped3A : memref<!tpu.dma_semaphore, #tpu.memory_space<semaphore_mem>>) src(%dma_wait3A_51 : memref<8000xf32, #tpu.memory_space<hbm>>) dst(%arg7 : memref<8000xf32, #tpu.memory_space<vmem>>)
          tpu.yield
        }) : () -> ()
        "tpu.region"() ({
          %run_scoped3A = tpu.sem_alloc : memref<!tpu.dma_semaphore, #tpu.memory_space<semaphore_mem>>
          %dma_start3A = tpu.memref_slice %arg3[%mul3A_31] : memref<100000xi32, #tpu.memory_space<hbm>> -> memref<1000xi32, #tpu.memory_space<hbm>>
          %dma_start3A_50 = tpu.memref_slice %arg3[%mul3A_31] : memref<100000xi32, #tpu.memory_space<hbm>> -> memref<1000xi32, #tpu.memory_space<hbm>>
          tpu.enqueue_dma source(%dma_start3A_50 : memref<1000xi32, #tpu.memory_space<hbm>>) target(%arg9 : memref<1000xi32, #tpu.memory_space<vmem>>) target_semaphore(%run_scoped3A : memref<!tpu.dma_semaphore, #tpu.memory_space<semaphore_mem>>)
          %dma_wait3A = tpu.memref_slice %arg3[%mul3A_31] : memref<100000xi32, #tpu.memory_space<hbm>> -> memref<1000xi32, #tpu.memory_space<hbm>>
          %dma_wait3A_51 = tpu.memref_slice %arg3[%mul3A_31] : memref<100000xi32, #tpu.memory_space<hbm>> -> memref<1000xi32, #tpu.memory_space<hbm>>
          tpu.wait_dma2 semaphore(%run_scoped3A : memref<!tpu.dma_semaphore, #tpu.memory_space<semaphore_mem>>) src(%dma_wait3A_51 : memref<1000xi32, #tpu.memory_space<hbm>>) dst(%arg9 : memref<1000xi32, #tpu.memory_space<vmem>>)
          tpu.yield
        }) : () -> ()
        %scan3A_38 = arith.constant 0 : i32
        %scan3A_39 = arith.constant 500 : i32
        %scan3A_40 = arith.addi %scan3A_38, %scan3A_39 : i32
        %scan3A_41 = arith.constant 1 : i32
        scf.for %scan3A_50 = %scan3A_38 to %scan3A_40 step %scan3A_41  : i32 {
          %mul3A_51 = arith.constant 16 : i32
          %mul3A_52 = arith.muli %scan3A_50, %mul3A_51 : i32
          %add3A_53 = arith.constant 0 : i32
          %add3A_54 = arith.addi %add3A_53, %mul3A_52 : i32
          %add3A_55 = vector.broadcast %add3A_54 : i32 to vector<16xi32>
          %add3A_56 = arith.addi %add3A_55, %iota3A : vector<16xi32>
          %shift_right_logical3A = arith.constant 3 : i32
          %shift_right_logical3A_57 = vector.broadcast %shift_right_logical3A : i32 to vector<16xi32>
          %shift_right_logical3A_58 = arith.shrui %add3A_56, %shift_right_logical3A_57 : vector<16xi32>
          %gather3A = tpu.vector_load_idx %arg9[%shift_right_logical3A_58] : memref<1000xi32, #tpu.memory_space<vmem>>[vector<16xi32>], vector<16xi32>,
          %eq3A = arith.constant 0 : i32
          %eq3A_59 = vector.broadcast %eq3A : i32 to vector<16xi32>
          %eq3A_60 = arith.cmpi eq, %gather3A, %eq3A_59 : vector<16xi32>
          %jit3A = arith.constant 1.000000e+00 : f32
          %jit3A_61 = arith.constant 0.000000e+00 : f32
          %broadcast_in_dim3A = vector.broadcast %jit3A : f32 to vector<16xf32>
          %broadcast_in_dim3A_62 = vector.broadcast %jit3A_61 : f32 to vector<16xf32>
          %select_n3A = arith.select %eq3A_60, %broadcast_in_dim3A, %broadcast_in_dim3A_62 : vector<16xi1>, vector<16xf32>
          %get3A_63 = arith.index_cast %add3A_54 : i32 to index
          %get3A_64 = tpu.vector_load %arg6[%get3A_63] {strides = array<i32>} : memref<8000xf32, #tpu.memory_space<vmem>>, vector<16xf32>,
          %get3A_65 = arith.index_cast %add3A_54 : i32 to index
          %get3A_66 = tpu.vector_load %arg7[%get3A_65] {strides = array<i32>} : memref<8000xf32, #tpu.memory_space<vmem>>, vector<16xf32>,
          %add3A_67 = arith.addf %get3A_64, %get3A_66 : vector<16xf32>
          %mul3A_68 = arith.mulf %add3A_67, %select_n3A : vector<16xf32>
          %swap3A = arith.index_cast %add3A_54 : i32 to index
          %swap3A_69 = tpu.vector_load %arg8[%swap3A] {strides = array<i32>} : memref<8000xf32, #tpu.memory_space<vmem>>, vector<16xf32>,
          tpu.vector_store %arg8[%swap3A], %mul3A_68 {strides = array<i32>} : memref<8000xf32, #tpu.memory_space<vmem>>, vector<16xf32>,
        }
        %scan3A_42 = arith.constant 500 : i32
        %scan3A_43 = arith.constant 0 : i32
        %scan3A_44 = arith.constant 1000 : i32
        %scan3A_45 = arith.addi %scan3A_43, %scan3A_44 : i32
        %scan3A_46 = arith.constant 1 : i32
        scf.for %scan3A_50 = %scan3A_43 to %scan3A_45 step %scan3A_46  : i32 {
          %mul3A_51 = arith.constant 1 : i32
          %mul3A_52 = arith.muli %scan3A_50, %mul3A_51 : i32
          %add3A_53 = arith.constant 0 : i32
          %add3A_54 = arith.addi %add3A_53, %mul3A_52 : i32
          %broadcast_in_dim3A = arith.constant 0.000000e+00 : f32
          %broadcast_in_dim3A_55 = vector.broadcast %broadcast_in_dim3A : f32 to vector<16xf32>
          %mul3A_56 = arith.constant 8 : i32
          %mul3A_57 = arith.muli %add3A_54, %mul3A_56 : i32
          %add3A_58 = arith.constant 0 : i32
          %add3A_59 = arith.addi %mul3A_57, %add3A_58 : i32
          %broadcast_in_dim3A_60 = vector.broadcast %add3A_59 : i32 to vector<16xi32>
          %gather3A = tpu.vector_load_idx %arg8[%broadcast_in_dim3A_60] : memref<8000xf32, #tpu.memory_space<vmem>>[vector<16xi32>], vector<16xf32>,
          %mul3A_61 = arith.mulf %gather3A, %get3A_1 : vector<16xf32>
          %add3A_62 = arith.addf %broadcast_in_dim3A_55, %mul3A_61 : vector<16xf32>
          %mul3A_63 = arith.constant 8 : i32
          %mul3A_64 = arith.muli %add3A_54, %mul3A_63 : i32
          %add3A_65 = arith.constant 1 : i32
          %add3A_66 = arith.addi %mul3A_64, %add3A_65 : i32
          %broadcast_in_dim3A_67 = vector.broadcast %add3A_66 : i32 to vector<16xi32>
          %gather3A_68 = tpu.vector_load_idx %arg8[%broadcast_in_dim3A_67] : memref<8000xf32, #tpu.memory_space<vmem>>[vector<16xi32>], vector<16xf32>,
          %mul3A_69 = arith.mulf %gather3A_68, %get3A_3 : vector<16xf32>
          %add3A_70 = arith.addf %add3A_62, %mul3A_69 : vector<16xf32>
          %mul3A_71 = arith.constant 8 : i32
          %mul3A_72 = arith.muli %add3A_54, %mul3A_71 : i32
          %add3A_73 = arith.constant 2 : i32
          %add3A_74 = arith.addi %mul3A_72, %add3A_73 : i32
          %broadcast_in_dim3A_75 = vector.broadcast %add3A_74 : i32 to vector<16xi32>
          %gather3A_76 = tpu.vector_load_idx %arg8[%broadcast_in_dim3A_75] : memref<8000xf32, #tpu.memory_space<vmem>>[vector<16xi32>], vector<16xf32>,
          %mul3A_77 = arith.mulf %gather3A_76, %get3A_5 : vector<16xf32>
          %add3A_78 = arith.addf %add3A_70, %mul3A_77 : vector<16xf32>
          %mul3A_79 = arith.constant 8 : i32
          %mul3A_80 = arith.muli %add3A_54, %mul3A_79 : i32
          %add3A_81 = arith.constant 3 : i32
          %add3A_82 = arith.addi %mul3A_80, %add3A_81 : i32
          %broadcast_in_dim3A_83 = vector.broadcast %add3A_82 : i32 to vector<16xi32>
          %gather3A_84 = tpu.vector_load_idx %arg8[%broadcast_in_dim3A_83] : memref<8000xf32, #tpu.memory_space<vmem>>[vector<16xi32>], vector<16xf32>,
          %mul3A_85 = arith.mulf %gather3A_84, %get3A_7 : vector<16xf32>
          %add3A_86 = arith.addf %add3A_78, %mul3A_85 : vector<16xf32>
          %mul3A_87 = arith.constant 8 : i32
          %mul3A_88 = arith.muli %add3A_54, %mul3A_87 : i32
          %add3A_89 = arith.constant 4 : i32
          %add3A_90 = arith.addi %mul3A_88, %add3A_89 : i32
          %broadcast_in_dim3A_91 = vector.broadcast %add3A_90 : i32 to vector<16xi32>
          %gather3A_92 = tpu.vector_load_idx %arg8[%broadcast_in_dim3A_91] : memref<8000xf32, #tpu.memory_space<vmem>>[vector<16xi32>], vector<16xf32>,
          %mul3A_93 = arith.mulf %gather3A_92, %get3A_9 : vector<16xf32>
          %add3A_94 = arith.addf %add3A_86, %mul3A_93 : vector<16xf32>
          %mul3A_95 = arith.constant 8 : i32
          %mul3A_96 = arith.muli %add3A_54, %mul3A_95 : i32
          %add3A_97 = arith.constant 5 : i32
          %add3A_98 = arith.addi %mul3A_96, %add3A_97 : i32
          %broadcast_in_dim3A_99 = vector.broadcast %add3A_98 : i32 to vector<16xi32>
          %gather3A_100 = tpu.vector_load_idx %arg8[%broadcast_in_dim3A_99] : memref<8000xf32, #tpu.memory_space<vmem>>[vector<16xi32>], vector<16xf32>,
          %mul3A_101 = arith.mulf %gather3A_100, %get3A_11 : vector<16xf32>
          %add3A_102 = arith.addf %add3A_94, %mul3A_101 : vector<16xf32>
          %mul3A_103 = arith.constant 8 : i32
          %mul3A_104 = arith.muli %add3A_54, %mul3A_103 : i32
          %add3A_105 = arith.constant 6 : i32
          %add3A_106 = arith.addi %mul3A_104, %add3A_105 : i32
          %broadcast_in_dim3A_107 = vector.broadcast %add3A_106 : i32 to vector<16xi32>
          %gather3A_108 = tpu.vector_load_idx %arg8[%broadcast_in_dim3A_107] : memref<8000xf32, #tpu.memory_space<vmem>>[vector<16xi32>], vector<16xf32>,
          %mul3A_109 = arith.mulf %gather3A_108, %get3A_13 : vector<16xf32>
          %add3A_110 = arith.addf %add3A_102, %mul3A_109 : vector<16xf32>
          %mul3A_111 = arith.constant 8 : i32
          %mul3A_112 = arith.muli %add3A_54, %mul3A_111 : i32
          %add3A_113 = arith.constant 7 : i32
          %add3A_114 = arith.addi %mul3A_112, %add3A_113 : i32
          %broadcast_in_dim3A_115 = vector.broadcast %add3A_114 : i32 to vector<16xi32>
          %gather3A_116 = tpu.vector_load_idx %arg8[%broadcast_in_dim3A_115] : memref<8000xf32, #tpu.memory_space<vmem>>[vector<16xi32>], vector<16xf32>,
          %mul3A_117 = arith.mulf %gather3A_116, %get3A_15 : vector<16xf32>
          %add3A_118 = arith.addf %add3A_110, %mul3A_117 : vector<16xf32>
          %mul3A_119 = arith.constant 16 : i32
          %mul3A_120 = arith.muli %add3A_54, %mul3A_119 : i32
          %swap3A = arith.index_cast %mul3A_120 : i32 to index
          %swap3A_121 = tpu.vector_load %arg11[%swap3A] {strides = array<i32>} : memref<16000xf32, #tpu.memory_space<vmem>>, vector<16xf32>,
          tpu.vector_store %arg11[%swap3A], %add3A_118 {strides = array<i32>} : memref<16000xf32, #tpu.memory_space<vmem>>, vector<16xf32>,
        }
        %scan3A_47 = arith.constant 1000 : i32
        %mul3A_48 = arith.constant 16 : i32
        %mul3A_49 = arith.muli %mul3A_31, %mul3A_48 : i32
        "tpu.region"() ({
          %run_scoped3A = tpu.sem_alloc : memref<!tpu.dma_semaphore, #tpu.memory_space<semaphore_mem>>
          %dma_start3A = tpu.memref_slice %arg5[%mul3A_49] : memref<1600000xf32, #tpu.memory_space<hbm>> -> memref<16000xf32, #tpu.memory_space<hbm>>
          %dma_start3A_50 = tpu.memref_slice %arg5[%mul3A_49] : memref<1600000xf32, #tpu.memory_space<hbm>> -> memref<16000xf32, #tpu.memory_space<hbm>>
          tpu.enqueue_dma source(%arg11 : memref<16000xf32, #tpu.memory_space<vmem>>) target(%dma_start3A_50 : memref<16000xf32, #tpu.memory_space<hbm>>) target_semaphore(%run_scoped3A : memref<!tpu.dma_semaphore, #tpu.memory_space<semaphore_mem>>)
          %dma_wait3A = tpu.memref_slice %arg5[%mul3A_49] : memref<1600000xf32, #tpu.memory_space<hbm>> -> memref<16000xf32, #tpu.memory_space<hbm>>
          %dma_wait3A_51 = tpu.memref_slice %arg5[%mul3A_49] : memref<1600000xf32, #tpu.memory_space<hbm>> -> memref<16000xf32, #tpu.memory_space<hbm>>
          tpu.wait_dma2 semaphore(%run_scoped3A : memref<!tpu.dma_semaphore, #tpu.memory_space<semaphore_mem>>) src(%arg11 : memref<16000xf32, #tpu.memory_space<vmem>>) dst(%dma_wait3A_51 : memref<16000xf32, #tpu.memory_space<hbm>>)
          tpu.yield
        }) : () -> ()
      } else {
      }
    }
    %scan3A_19 = arith.constant 4 : i32
    return
  }
}

#map = affine_map<(d0, d1) -> (0, 0)>
module attributes {stable_mosaic.version = 14 : i64} {
  func.func @_prop_body(%arg0: i32, %arg1: i32, %arg2: memref<100000x8xf32, #tpu.memory_space<hbm>>, %arg3: memref<2x3200000xi32, #tpu.memory_space<hbm>>, %arg4: memref<100000x8xf32, #tpu.memory_space<hbm>>, %arg5: memref<200000x8xf32, #tpu.memory_space<hbm>>, %arg6: memref<1x128xi32, #tpu.memory_space<vmem>>, %arg7: memref<1x128xi32, #tpu.memory_space<vmem>>, %arg8: memref<128x8xf32, #tpu.memory_space<vmem>>, %arg9: memref<128x8xf32, #tpu.memory_space<vmem>>, %arg10: memref<1000x8xf32, #tpu.memory_space<vmem>>, %arg11: memref<100000x8xf32, #tpu.memory_space<vmem_shared>>, %arg12: memref<!tpu.dma_semaphore, #tpu.memory_space<semaphore_mem>>, %arg13: memref<!tpu.dma_semaphore, #tpu.memory_space<semaphore_mem>>) attributes {dimension_semantics = [#tpu.dimension_semantics<core_parallel>, #tpu.dimension_semantics<subcore_parallel>], iteration_bounds = array<i64: 2, 16>, scalar_prefetch = 0 : i64, scratch_operands = 8 : i64, tpu.core_type = #tpu.core_type<sc_vector_subcore>, window_params = [{transform_indices = #map}, {transform_indices = #map}, {transform_indices = #map}, {transform_indices = #map}]} {
    %mul3A = arith.constant 2 : i32
    %mul3A_0 = arith.muli %arg1, %mul3A : i32
    %add3A = arith.addi %mul3A_0, %arg0 : i32
    "tpu.region"() ({
      %run_scoped3A = tpu.sem_alloc : memref<!tpu.dma_semaphore, #tpu.memory_space<semaphore_mem>>
      %dma_start3A = arith.constant 0 : i32
      %dma_start3A_16 = arith.constant 0 : i32
      %dma_start3A_17 = tpu.memref_slice %arg4[%dma_start3A, %dma_start3A_16] : memref<100000x8xf32, #tpu.memory_space<hbm>> -> memref<1000x8xf32, #tpu.memory_space<hbm>>
      %dma_start3A_18 = arith.constant 0 : i32
      %dma_start3A_19 = arith.constant 0 : i32
      %dma_start3A_20 = tpu.memref_slice %arg4[%dma_start3A_18, %dma_start3A_19] : memref<100000x8xf32, #tpu.memory_space<hbm>> -> memref<1000x8xf32, #tpu.memory_space<hbm>>
      tpu.enqueue_dma source(%dma_start3A_20 : memref<1000x8xf32, #tpu.memory_space<hbm>>) target(%arg10 : memref<1000x8xf32, #tpu.memory_space<vmem>>) target_semaphore(%run_scoped3A : memref<!tpu.dma_semaphore, #tpu.memory_space<semaphore_mem>>)
      %dma_wait3A = arith.constant 0 : i32
      %dma_wait3A_21 = arith.constant 0 : i32
      %dma_wait3A_22 = tpu.memref_slice %arg4[%dma_wait3A, %dma_wait3A_21] : memref<100000x8xf32, #tpu.memory_space<hbm>> -> memref<1000x8xf32, #tpu.memory_space<hbm>>
      %dma_wait3A_23 = arith.constant 0 : i32
      %dma_wait3A_24 = arith.constant 0 : i32
      %dma_wait3A_25 = tpu.memref_slice %arg4[%dma_wait3A_23, %dma_wait3A_24] : memref<100000x8xf32, #tpu.memory_space<hbm>> -> memref<1000x8xf32, #tpu.memory_space<hbm>>
      tpu.wait_dma2 semaphore(%run_scoped3A : memref<!tpu.dma_semaphore, #tpu.memory_space<semaphore_mem>>) src(%dma_wait3A_25 : memref<1000x8xf32, #tpu.memory_space<hbm>>) dst(%arg10 : memref<1000x8xf32, #tpu.memory_space<vmem>>)
      tpu.yield
    }) : () -> ()
    %scan3A = arith.constant 0 : i32
    %scan3A_1 = arith.constant 7 : i32
    %scan3A_2 = arith.addi %scan3A, %scan3A_1 : i32
    %scan3A_3 = arith.constant 1 : i32
    scf.for %scan3A_16 = %scan3A to %scan3A_2 step %scan3A_3  : i32 {
      %mul3A_17 = arith.constant 1 : i32
      %mul3A_18 = arith.muli %scan3A_16, %mul3A_17 : i32
      %add3A_19 = arith.constant 0 : i32
      %add3A_20 = arith.addi %add3A_19, %mul3A_18 : i32
      %mul3A_21 = arith.constant 16 : i32
      %mul3A_22 = arith.muli %add3A_20, %mul3A_21 : i32
      %add3A_23 = arith.addi %arg1, %mul3A_22 : i32
      %lt3A = arith.constant 100 : i32
      %lt3A_24 = arith.cmpi slt, %add3A_23, %lt3A : i32
      %convert_element_type3A = arith.extui %lt3A_24 : i1 to i32
      %cond3A = arith.constant 0 : i32
      %cond3A_25 = arith.cmpi ne, %convert_element_type3A, %cond3A : i32
      scf.if %cond3A_25 {
        %mul3A_26 = arith.constant 1000 : i32
        %mul3A_27 = arith.muli %add3A_23, %mul3A_26 : i32
        "tpu.region"() ({
          %run_scoped3A = tpu.sem_alloc : memref<!tpu.dma_semaphore, #tpu.memory_space<semaphore_mem>>
          %dma_start3A = arith.constant 0 : i32
          %dma_start3A_28 = tpu.memref_slice %arg11[%mul3A_27, %dma_start3A] : memref<100000x8xf32, #tpu.memory_space<vmem_shared>> -> memref<1000x8xf32, #tpu.memory_space<vmem_shared>>
          %dma_start3A_29 = arith.constant 0 : i32
          %dma_start3A_30 = tpu.memref_slice %arg11[%mul3A_27, %dma_start3A_29] : memref<100000x8xf32, #tpu.memory_space<vmem_shared>> -> memref<1000x8xf32, #tpu.memory_space<vmem_shared>>
          tpu.enqueue_dma source(%arg10 : memref<1000x8xf32, #tpu.memory_space<vmem>>) target(%dma_start3A_30 : memref<1000x8xf32, #tpu.memory_space<vmem_shared>>) target_semaphore(%run_scoped3A : memref<!tpu.dma_semaphore, #tpu.memory_space<semaphore_mem>>)
          %dma_wait3A = arith.constant 0 : i32
          %dma_wait3A_31 = tpu.memref_slice %arg11[%mul3A_27, %dma_wait3A] : memref<100000x8xf32, #tpu.memory_space<vmem_shared>> -> memref<1000x8xf32, #tpu.memory_space<vmem_shared>>
          %dma_wait3A_32 = arith.constant 0 : i32
          %dma_wait3A_33 = tpu.memref_slice %arg11[%mul3A_27, %dma_wait3A_32] : memref<100000x8xf32, #tpu.memory_space<vmem_shared>> -> memref<1000x8xf32, #tpu.memory_space<vmem_shared>>
          tpu.wait_dma2 semaphore(%run_scoped3A : memref<!tpu.dma_semaphore, #tpu.memory_space<semaphore_mem>>) src(%arg10 : memref<1000x8xf32, #tpu.memory_space<vmem>>) dst(%dma_wait3A_33 : memref<1000x8xf32, #tpu.memory_space<vmem_shared>>)
          tpu.yield
        }) : () -> ()
      } else {
      }
    }
    %scan3A_4 = arith.constant 7 : i32
    %barrier3A = arith.constant 0 : index
    tpu.barrier barrier_id(%barrier3A)
    %scan3A_5 = arith.constant 0 : i32
    %scan3A_6 = arith.constant 782 : i32
    %scan3A_7 = arith.addi %scan3A_5, %scan3A_6 : i32
    %scan3A_8 = arith.constant 1 : i32
    scf.for %scan3A_16 = %scan3A_5 to %scan3A_7 step %scan3A_8  : i32 {
      %mul3A_17 = arith.constant 1 : i32
      %mul3A_18 = arith.muli %scan3A_16, %mul3A_17 : i32
      %add3A_19 = arith.constant 0 : i32
      %add3A_20 = arith.addi %add3A_19, %mul3A_18 : i32
      %mul3A_21 = arith.constant 32 : i32
      %mul3A_22 = arith.muli %add3A_20, %mul3A_21 : i32
      %add3A_23 = arith.addi %add3A, %mul3A_22 : i32
      %lt3A = arith.constant 25000 : i32
      %lt3A_24 = arith.cmpi slt, %add3A_23, %lt3A : i32
      %convert_element_type3A = arith.extui %lt3A_24 : i1 to i32
      %cond3A = arith.constant 0 : i32
      %cond3A_25 = arith.cmpi ne, %convert_element_type3A, %cond3A : i32
      scf.if %cond3A_25 {
        %mul3A_26 = arith.constant 128 : i32
        %mul3A_27 = arith.muli %add3A_23, %mul3A_26 : i32
        "tpu.region"() ({
          %run_scoped3A_55 = tpu.sem_alloc : memref<!tpu.dma_semaphore, #tpu.memory_space<semaphore_mem>>
          %dma_start3A_56 = arith.constant 0 : i32
          %dma_start3A_57 = tpu.memref_slice %arg3[%dma_start3A_56, %mul3A_27] : memref<2x3200000xi32, #tpu.memory_space<hbm>> -> memref<1x128xi32, #tpu.memory_space<hbm>>
          %dma_start3A_58 = arith.constant 0 : i32
          %dma_start3A_59 = tpu.memref_slice %arg3[%dma_start3A_58, %mul3A_27] : memref<2x3200000xi32, #tpu.memory_space<hbm>> -> memref<1x128xi32, #tpu.memory_space<hbm>>
          tpu.enqueue_dma source(%dma_start3A_59 : memref<1x128xi32, #tpu.memory_space<hbm>>) target(%arg6 : memref<1x128xi32, #tpu.memory_space<vmem>>) target_semaphore(%run_scoped3A_55 : memref<!tpu.dma_semaphore, #tpu.memory_space<semaphore_mem>>)
          %dma_wait3A_60 = arith.constant 0 : i32
          %dma_wait3A_61 = tpu.memref_slice %arg3[%dma_wait3A_60, %mul3A_27] : memref<2x3200000xi32, #tpu.memory_space<hbm>> -> memref<1x128xi32, #tpu.memory_space<hbm>>
          %dma_wait3A_62 = arith.constant 0 : i32
          %dma_wait3A_63 = tpu.memref_slice %arg3[%dma_wait3A_62, %mul3A_27] : memref<2x3200000xi32, #tpu.memory_space<hbm>> -> memref<1x128xi32, #tpu.memory_space<hbm>>
          tpu.wait_dma2 semaphore(%run_scoped3A_55 : memref<!tpu.dma_semaphore, #tpu.memory_space<semaphore_mem>>) src(%dma_wait3A_63 : memref<1x128xi32, #tpu.memory_space<hbm>>) dst(%arg6 : memref<1x128xi32, #tpu.memory_space<vmem>>)
          tpu.yield
        }) : () -> ()
        "tpu.region"() ({
          %run_scoped3A_55 = tpu.sem_alloc : memref<!tpu.dma_semaphore, #tpu.memory_space<semaphore_mem>>
          %dma_start3A_56 = arith.constant 1 : i32
          %dma_start3A_57 = tpu.memref_slice %arg3[%dma_start3A_56, %mul3A_27] : memref<2x3200000xi32, #tpu.memory_space<hbm>> -> memref<1x128xi32, #tpu.memory_space<hbm>>
          %dma_start3A_58 = arith.constant 1 : i32
          %dma_start3A_59 = tpu.memref_slice %arg3[%dma_start3A_58, %mul3A_27] : memref<2x3200000xi32, #tpu.memory_space<hbm>> -> memref<1x128xi32, #tpu.memory_space<hbm>>
          tpu.enqueue_dma source(%dma_start3A_59 : memref<1x128xi32, #tpu.memory_space<hbm>>) target(%arg7 : memref<1x128xi32, #tpu.memory_space<vmem>>) target_semaphore(%run_scoped3A_55 : memref<!tpu.dma_semaphore, #tpu.memory_space<semaphore_mem>>)
          %dma_wait3A_60 = arith.constant 1 : i32
          %dma_wait3A_61 = tpu.memref_slice %arg3[%dma_wait3A_60, %mul3A_27] : memref<2x3200000xi32, #tpu.memory_space<hbm>> -> memref<1x128xi32, #tpu.memory_space<hbm>>
          %dma_wait3A_62 = arith.constant 1 : i32
          %dma_wait3A_63 = tpu.memref_slice %arg3[%dma_wait3A_62, %mul3A_27] : memref<2x3200000xi32, #tpu.memory_space<hbm>> -> memref<1x128xi32, #tpu.memory_space<hbm>>
          tpu.wait_dma2 semaphore(%run_scoped3A_55 : memref<!tpu.dma_semaphore, #tpu.memory_space<semaphore_mem>>) src(%dma_wait3A_63 : memref<1x128xi32, #tpu.memory_space<hbm>>) dst(%arg7 : memref<1x128xi32, #tpu.memory_space<vmem>>)
          tpu.yield
        }) : () -> ()
        %dma_start3A = arith.constant 0 : i32
        %dma_start3A_28 = arith.constant 0 : i32
        %dma_start3A_29 = tpu.memref_slice %arg6[%dma_start3A, %dma_start3A_28] : memref<1x128xi32, #tpu.memory_space<vmem>> -> memref<1x128xi32, #tpu.memory_space<vmem>>
        %dma_start3A_30 = tpu.memref_squeeze %dma_start3A_29 : memref<1x128xi32, #tpu.memory_space<vmem>> -> memref<128xi32, #tpu.memory_space<vmem>>
        %dma_start3A_31 = arith.constant 0 : i32
        %dma_start3A_32 = arith.constant 0 : i32
        %dma_start3A_33 = tpu.memref_slice %arg2[%dma_start3A_31, %dma_start3A_32] : memref<100000x8xf32, #tpu.memory_space<hbm>> -> memref<100000x8xf32, #tpu.memory_space<hbm>>
        tpu.enqueue_indirect_dma source(%dma_start3A_33 : memref<100000x8xf32, #tpu.memory_space<hbm>>) target(%arg8 : memref<128x8xf32, #tpu.memory_space<vmem>>) offsets(%dma_start3A_30 : memref<128xi32, #tpu.memory_space<vmem>>) semaphore(%arg12 : memref<!tpu.dma_semaphore, #tpu.memory_space<semaphore_mem>>)
        %dma_start3A_34 = arith.constant 0 : i32
        %dma_start3A_35 = arith.constant 0 : i32
        %dma_start3A_36 = tpu.memref_slice %arg7[%dma_start3A_34, %dma_start3A_35] : memref<1x128xi32, #tpu.memory_space<vmem>> -> memref<1x128xi32, #tpu.memory_space<vmem>>
        %dma_start3A_37 = tpu.memref_squeeze %dma_start3A_36 : memref<1x128xi32, #tpu.memory_space<vmem>> -> memref<128xi32, #tpu.memory_space<vmem>>
        %dma_start3A_38 = arith.constant 0 : i32
        %dma_start3A_39 = arith.constant 0 : i32
        %dma_start3A_40 = tpu.memref_slice %arg2[%dma_start3A_38, %dma_start3A_39] : memref<100000x8xf32, #tpu.memory_space<hbm>> -> memref<100000x8xf32, #tpu.memory_space<hbm>>
        tpu.enqueue_indirect_dma source(%dma_start3A_40 : memref<100000x8xf32, #tpu.memory_space<hbm>>) target(%arg9 : memref<128x8xf32, #tpu.memory_space<vmem>>) offsets(%dma_start3A_37 : memref<128xi32, #tpu.memory_space<vmem>>) semaphore(%arg13 : memref<!tpu.dma_semaphore, #tpu.memory_space<semaphore_mem>>)
        %dma_wait3A = arith.constant 0 : i32
        %dma_wait3A_41 = arith.constant 0 : i32
        %dma_wait3A_42 = tpu.memref_slice %arg6[%dma_wait3A, %dma_wait3A_41] : memref<1x128xi32, #tpu.memory_space<vmem>> -> memref<1x128xi32, #tpu.memory_space<vmem>>
        %dma_wait3A_43 = tpu.memref_squeeze %dma_wait3A_42 : memref<1x128xi32, #tpu.memory_space<vmem>> -> memref<128xi32, #tpu.memory_space<vmem>>
        %dma_wait3A_44 = arith.constant 0 : i32
        %dma_wait3A_45 = arith.constant 0 : i32
        %dma_wait3A_46 = tpu.memref_slice %arg2[%dma_wait3A_44, %dma_wait3A_45] : memref<100000x8xf32, #tpu.memory_space<hbm>> -> memref<100000x8xf32, #tpu.memory_space<hbm>>
        tpu.wait_indirect_dma semaphore(%arg12 : memref<!tpu.dma_semaphore, #tpu.memory_space<semaphore_mem>>) src(%dma_wait3A_46 : memref<100000x8xf32, #tpu.memory_space<hbm>>) dst(%arg8 : memref<128x8xf32, #tpu.memory_space<vmem>>)
        %dma_wait3A_47 = arith.constant 0 : i32
        %dma_wait3A_48 = arith.constant 0 : i32
        %dma_wait3A_49 = tpu.memref_slice %arg7[%dma_wait3A_47, %dma_wait3A_48] : memref<1x128xi32, #tpu.memory_space<vmem>> -> memref<1x128xi32, #tpu.memory_space<vmem>>
        %dma_wait3A_50 = tpu.memref_squeeze %dma_wait3A_49 : memref<1x128xi32, #tpu.memory_space<vmem>> -> memref<128xi32, #tpu.memory_space<vmem>>
        %dma_wait3A_51 = arith.constant 0 : i32
        %dma_wait3A_52 = arith.constant 0 : i32
        %dma_wait3A_53 = tpu.memref_slice %arg2[%dma_wait3A_51, %dma_wait3A_52] : memref<100000x8xf32, #tpu.memory_space<hbm>> -> memref<100000x8xf32, #tpu.memory_space<hbm>>
        tpu.wait_indirect_dma semaphore(%arg13 : memref<!tpu.dma_semaphore, #tpu.memory_space<semaphore_mem>>) src(%dma_wait3A_53 : memref<100000x8xf32, #tpu.memory_space<hbm>>) dst(%arg9 : memref<128x8xf32, #tpu.memory_space<vmem>>)
        %run_scoped3A = arith.constant 0 : i32
        "tpu.region"() ({
          %run_scoped3A_55 = tpu.sem_alloc : memref<!tpu.dma_semaphore, #tpu.memory_space<semaphore_mem>>
          %dma_start3A_56 = arith.constant 0 : i32
          %dma_start3A_57 = tpu.memref_slice %arg7[%run_scoped3A, %dma_start3A_56] : memref<1x128xi32, #tpu.memory_space<vmem>> -> memref<1x128xi32, #tpu.memory_space<vmem>>
          %dma_start3A_58 = tpu.memref_squeeze %dma_start3A_57 : memref<1x128xi32, #tpu.memory_space<vmem>> -> memref<128xi32, #tpu.memory_space<vmem>>
          %dma_start3A_59 = arith.constant 0 : i32
          %dma_start3A_60 = arith.constant 0 : i32
          %dma_start3A_61 = tpu.memref_slice %arg11[%dma_start3A_59, %dma_start3A_60] : memref<100000x8xf32, #tpu.memory_space<vmem_shared>> -> memref<100000x8xf32, #tpu.memory_space<vmem_shared>>
          tpu.enqueue_indirect_dma source(%arg8 : memref<128x8xf32, #tpu.memory_space<vmem>>) target(%dma_start3A_61 : memref<100000x8xf32, #tpu.memory_space<vmem_shared>>) offsets(%dma_start3A_58 : memref<128xi32, #tpu.memory_space<vmem>>) semaphore(%run_scoped3A_55 : memref<!tpu.dma_semaphore, #tpu.memory_space<semaphore_mem>>) {add = true}
          %dma_wait3A_62 = arith.constant 0 : i32
          %dma_wait3A_63 = tpu.memref_slice %arg7[%run_scoped3A, %dma_wait3A_62] : memref<1x128xi32, #tpu.memory_space<vmem>> -> memref<1x128xi32, #tpu.memory_space<vmem>>
          %dma_wait3A_64 = tpu.memref_squeeze %dma_wait3A_63 : memref<1x128xi32, #tpu.memory_space<vmem>> -> memref<128xi32, #tpu.memory_space<vmem>>
          %dma_wait3A_65 = arith.constant 0 : i32
          %dma_wait3A_66 = arith.constant 0 : i32
          %dma_wait3A_67 = tpu.memref_slice %arg11[%dma_wait3A_65, %dma_wait3A_66] : memref<100000x8xf32, #tpu.memory_space<vmem_shared>> -> memref<100000x8xf32, #tpu.memory_space<vmem_shared>>
          tpu.wait_indirect_dma semaphore(%run_scoped3A_55 : memref<!tpu.dma_semaphore, #tpu.memory_space<semaphore_mem>>) src(%arg8 : memref<128x8xf32, #tpu.memory_space<vmem>>) dst(%dma_wait3A_67 : memref<100000x8xf32, #tpu.memory_space<vmem_shared>>)
          tpu.yield
        }) : () -> ()
        %run_scoped3A_54 = arith.constant 0 : i32
        "tpu.region"() ({
          %run_scoped3A_55 = tpu.sem_alloc : memref<!tpu.dma_semaphore, #tpu.memory_space<semaphore_mem>>
          %dma_start3A_56 = arith.constant 0 : i32
          %dma_start3A_57 = tpu.memref_slice %arg6[%run_scoped3A_54, %dma_start3A_56] : memref<1x128xi32, #tpu.memory_space<vmem>> -> memref<1x128xi32, #tpu.memory_space<vmem>>
          %dma_start3A_58 = tpu.memref_squeeze %dma_start3A_57 : memref<1x128xi32, #tpu.memory_space<vmem>> -> memref<128xi32, #tpu.memory_space<vmem>>
          %dma_start3A_59 = arith.constant 0 : i32
          %dma_start3A_60 = arith.constant 0 : i32
          %dma_start3A_61 = tpu.memref_slice %arg11[%dma_start3A_59, %dma_start3A_60] : memref<100000x8xf32, #tpu.memory_space<vmem_shared>> -> memref<100000x8xf32, #tpu.memory_space<vmem_shared>>
          tpu.enqueue_indirect_dma source(%arg9 : memref<128x8xf32, #tpu.memory_space<vmem>>) target(%dma_start3A_61 : memref<100000x8xf32, #tpu.memory_space<vmem_shared>>) offsets(%dma_start3A_58 : memref<128xi32, #tpu.memory_space<vmem>>) semaphore(%run_scoped3A_55 : memref<!tpu.dma_semaphore, #tpu.memory_space<semaphore_mem>>) {add = true}
          %dma_wait3A_62 = arith.constant 0 : i32
          %dma_wait3A_63 = tpu.memref_slice %arg6[%run_scoped3A_54, %dma_wait3A_62] : memref<1x128xi32, #tpu.memory_space<vmem>> -> memref<1x128xi32, #tpu.memory_space<vmem>>
          %dma_wait3A_64 = tpu.memref_squeeze %dma_wait3A_63 : memref<1x128xi32, #tpu.memory_space<vmem>> -> memref<128xi32, #tpu.memory_space<vmem>>
          %dma_wait3A_65 = arith.constant 0 : i32
          %dma_wait3A_66 = arith.constant 0 : i32
          %dma_wait3A_67 = tpu.memref_slice %arg11[%dma_wait3A_65, %dma_wait3A_66] : memref<100000x8xf32, #tpu.memory_space<vmem_shared>> -> memref<100000x8xf32, #tpu.memory_space<vmem_shared>>
          tpu.wait_indirect_dma semaphore(%run_scoped3A_55 : memref<!tpu.dma_semaphore, #tpu.memory_space<semaphore_mem>>) src(%arg9 : memref<128x8xf32, #tpu.memory_space<vmem>>) dst(%dma_wait3A_67 : memref<100000x8xf32, #tpu.memory_space<vmem_shared>>)
          tpu.yield
        }) : () -> ()
      } else {
      }
    }
    %scan3A_9 = arith.constant 782 : i32
    %barrier3A_10 = arith.constant 0 : index
    tpu.barrier barrier_id(%barrier3A_10)
    %scan3A_11 = arith.constant 0 : i32
    %scan3A_12 = arith.constant 7 : i32
    %scan3A_13 = arith.addi %scan3A_11, %scan3A_12 : i32
    %scan3A_14 = arith.constant 1 : i32
    scf.for %scan3A_16 = %scan3A_11 to %scan3A_13 step %scan3A_14  : i32 {
      %mul3A_17 = arith.constant 1 : i32
      %mul3A_18 = arith.muli %scan3A_16, %mul3A_17 : i32
      %add3A_19 = arith.constant 0 : i32
      %add3A_20 = arith.addi %add3A_19, %mul3A_18 : i32
      %mul3A_21 = arith.constant 16 : i32
      %mul3A_22 = arith.muli %add3A_20, %mul3A_21 : i32
      %add3A_23 = arith.addi %arg1, %mul3A_22 : i32
      %lt3A = arith.constant 100 : i32
      %lt3A_24 = arith.cmpi slt, %add3A_23, %lt3A : i32
      %convert_element_type3A = arith.extui %lt3A_24 : i1 to i32
      %cond3A = arith.constant 0 : i32
      %cond3A_25 = arith.cmpi ne, %convert_element_type3A, %cond3A : i32
      scf.if %cond3A_25 {
        %mul3A_26 = arith.constant 1000 : i32
        %mul3A_27 = arith.muli %add3A_23, %mul3A_26 : i32
        "tpu.region"() ({
          %run_scoped3A = tpu.sem_alloc : memref<!tpu.dma_semaphore, #tpu.memory_space<semaphore_mem>>
          %dma_start3A = arith.constant 0 : i32
          %dma_start3A_33 = tpu.memref_slice %arg11[%mul3A_27, %dma_start3A] : memref<100000x8xf32, #tpu.memory_space<vmem_shared>> -> memref<1000x8xf32, #tpu.memory_space<vmem_shared>>
          %dma_start3A_34 = arith.constant 0 : i32
          %dma_start3A_35 = tpu.memref_slice %arg11[%mul3A_27, %dma_start3A_34] : memref<100000x8xf32, #tpu.memory_space<vmem_shared>> -> memref<1000x8xf32, #tpu.memory_space<vmem_shared>>
          tpu.enqueue_dma source(%dma_start3A_35 : memref<1000x8xf32, #tpu.memory_space<vmem_shared>>) target(%arg10 : memref<1000x8xf32, #tpu.memory_space<vmem>>) target_semaphore(%run_scoped3A : memref<!tpu.dma_semaphore, #tpu.memory_space<semaphore_mem>>)
          %dma_wait3A = arith.constant 0 : i32
          %dma_wait3A_36 = tpu.memref_slice %arg11[%mul3A_27, %dma_wait3A] : memref<100000x8xf32, #tpu.memory_space<vmem_shared>> -> memref<1000x8xf32, #tpu.memory_space<vmem_shared>>
          %dma_wait3A_37 = arith.constant 0 : i32
          %dma_wait3A_38 = tpu.memref_slice %arg11[%mul3A_27, %dma_wait3A_37] : memref<100000x8xf32, #tpu.memory_space<vmem_shared>> -> memref<1000x8xf32, #tpu.memory_space<vmem_shared>>
          tpu.wait_dma2 semaphore(%run_scoped3A : memref<!tpu.dma_semaphore, #tpu.memory_space<semaphore_mem>>) src(%dma_wait3A_38 : memref<1000x8xf32, #tpu.memory_space<vmem_shared>>) dst(%arg10 : memref<1000x8xf32, #tpu.memory_space<vmem>>)
          tpu.yield
        }) : () -> ()
        %mul3A_28 = arith.constant 100000 : i32
        %mul3A_29 = arith.muli %arg0, %mul3A_28 : i32
        %mul3A_30 = arith.constant 1000 : i32
        %mul3A_31 = arith.muli %add3A_23, %mul3A_30 : i32
        %add3A_32 = arith.addi %mul3A_29, %mul3A_31 : i32
        "tpu.region"() ({
          %run_scoped3A = tpu.sem_alloc : memref<!tpu.dma_semaphore, #tpu.memory_space<semaphore_mem>>
          %dma_start3A = arith.constant 0 : i32
          %dma_start3A_33 = tpu.memref_slice %arg5[%add3A_32, %dma_start3A] : memref<200000x8xf32, #tpu.memory_space<hbm>> -> memref<1000x8xf32, #tpu.memory_space<hbm>>
          %dma_start3A_34 = arith.constant 0 : i32
          %dma_start3A_35 = tpu.memref_slice %arg5[%add3A_32, %dma_start3A_34] : memref<200000x8xf32, #tpu.memory_space<hbm>> -> memref<1000x8xf32, #tpu.memory_space<hbm>>
          tpu.enqueue_dma source(%arg10 : memref<1000x8xf32, #tpu.memory_space<vmem>>) target(%dma_start3A_35 : memref<1000x8xf32, #tpu.memory_space<hbm>>) target_semaphore(%run_scoped3A : memref<!tpu.dma_semaphore, #tpu.memory_space<semaphore_mem>>)
          %dma_wait3A = arith.constant 0 : i32
          %dma_wait3A_36 = tpu.memref_slice %arg5[%add3A_32, %dma_wait3A] : memref<200000x8xf32, #tpu.memory_space<hbm>> -> memref<1000x8xf32, #tpu.memory_space<hbm>>
          %dma_wait3A_37 = arith.constant 0 : i32
          %dma_wait3A_38 = tpu.memref_slice %arg5[%add3A_32, %dma_wait3A_37] : memref<200000x8xf32, #tpu.memory_space<hbm>> -> memref<1000x8xf32, #tpu.memory_space<hbm>>
          tpu.wait_dma2 semaphore(%run_scoped3A : memref<!tpu.dma_semaphore, #tpu.memory_space<semaphore_mem>>) src(%arg10 : memref<1000x8xf32, #tpu.memory_space<vmem>>) dst(%dma_wait3A_38 : memref<1000x8xf32, #tpu.memory_space<hbm>>)
          tpu.yield
        }) : () -> ()
      } else {
      }
    }
    %scan3A_15 = arith.constant 7 : i32
    return
  }
}

module attributes {stable_mosaic.version = 14 : i64} {
  func.func @_add_body(%arg0: memref<2x6250x128xf32, #tpu.memory_space<vmem>>, %arg1: memref<6250x128xf32, #tpu.memory_space<vmem>>) attributes {dimension_semantics = [], scalar_prefetch = 0 : i64, scratch_operands = 0 : i64, tpu.core_type = #tpu.core_type<tc>} {
    %get3A = arith.constant 0 : index
    %get3A_0 = arith.constant 0 : index
    %get3A_1 = arith.constant 0 : index
    %get3A_2 = vector.load %arg0[%get3A, %get3A_0, %get3A_1] : memref<2x6250x128xf32, #tpu.memory_space<vmem>>, vector<1x6250x128xf32>
    %get3A_3 = vector.shape_cast %get3A_2 : vector<1x6250x128xf32> to vector<6250x128xf32>
    %get3A_4 = arith.constant 1 : index
    %get3A_5 = arith.constant 0 : index
    %get3A_6 = arith.constant 0 : index
    %get3A_7 = vector.load %arg0[%get3A_4, %get3A_5, %get3A_6] : memref<2x6250x128xf32, #tpu.memory_space<vmem>>, vector<1x6250x128xf32>
    %get3A_8 = vector.shape_cast %get3A_7 : vector<1x6250x128xf32> to vector<6250x128xf32>
    %add3A = arith.addf %get3A_3, %get3A_8 : vector<6250x128xf32>
    %swap3A = arith.constant 0 : index
    %swap3A_9 = arith.constant 0 : index
    %swap3A_10 = vector.load %arg1[%swap3A, %swap3A_9] : memref<6250x128xf32, #tpu.memory_space<vmem>>, vector<6250x128xf32>
    tpu.vector_store %arg1[%swap3A, %swap3A_9], %add3A {strides = array<i32>} : memref<6250x128xf32, #tpu.memory_space<vmem>>, vector<6250x128xf32>,
    return
  }
}

</mosaic_0001>

<sc_bundles>
// kernel: kernel.12.cloned.1.call-start
scs
__scs_entry_jumppad:
0x0: {  	(pc) =	sbr.rel $0x88, $3  }
0x1: {  	(tag) =	ssettag $0x0;
	lr =	simm.s32 $0x1  }
0x2: {  	[smem:$0x3F9E] =	sst lr;
	_ =	strace $0xD0000000  }
0x3: {  	_ = 	snop  }
0x4: {  	_ = 	snop  }
0x5: {  	_ = 	snop  }
0x6: {  	_ = 	snop  }
0x7: {  	_ = 	snop  }
__scs_overlays_trampoline_lowered:
0x8: {  	[smem:$0x3FAD] =	sst s0  }
0x9: {  	[smem:$0x3FAE] =	sst s1  }
0xa: {  	[smem:$0x3FAF] =	sst s2  }
0xb: {  	[smem:$0x3FB0] =	sst s3  }
0xc: {  	[smem:$0x3FB1] =	sst s4  }
0xd: {  	[smem:$0x3FB2] =	sst s5  }
0xe: {  	[smem:$0x3FB3] =	sst s6  }
0xf: {  	[smem:$0x3FB4] =	sst s7  }
0x10: {  	[smem:$0x3FB5] =	sst s8  }
0x11: {  	[smem:$0x3FB6] =	sst s9;
	s0 =	simm.s32 @!p0 $0x0  }
0x12: {  	s1 =	sld [smem:$0x3F9C];
	s0 =	simm.s32 @p0 $0x1  }
0x13: {  	[smem:$0x3FB7] =	sst s0;
	s0 =	simm.s32 @!p1 $0x0  }
0x14: {  	s2 =	sld [smem:$0x3F9B];
	s0 =	simm.s32 @p1 $0x1  }
0x15: {  	[smem:$0x3FB8] =	sst s0;
	s0 =	simm.s32 @!p2 $0x0  }
0x16: {  	s3 =	sld [smem:$0x3FDB];
	s0 =	simm.s32 @p2 $0x1  }
0x17: {  	s4 =	simm.s32 $0x1BF5;
	[smem:$0x3FBA] =	sst s0  }
0x18: {  	s0 =	sld [smem:$0x3F9D];
	_ =	swait.ge [sflag:s4], $0x0  }
0x19: {  	s7 =	sld [smem:$0x3F9E]  }
0x1a: {  	s8 =	sadd.s32 $0xFFFFE003, lr  }
0x1b: {  	s9 =	sadd.s32 $0xFFFFFEF7, lr;
	s5 =	simm.s32 $0xFFFFFFFF;
	p2 =	slt.u32 s8, $0xFFFFF086  }
0x1c: {  	p1 =	slt.u32 s9, $0xF7A;
	s5 =	simm.s32 @!p2 $0x0  }
0x1d: {  	s5 =	simm.s32 @p1 $0x1;
	p0 =	seq.s32 s7, s2  }
0x1e: {  	s7 =	smul.u32 @!p0 $0xF7A, s2;
	p2 =	seq.s32 @!p0 s5, $0x0  }
0x1f: {  	s9 =	smul.u32 $0xF7A, s1;
	s8 =	simm.s32 @!p0 $0x1BF5;
	p2 =	por !p2, p0  }
0x20: {  	[sflag:s8] =	ssyncset.s32 @!p0 $0xFFFFF086;
	s6 =	sadd.s32 @!p0 s3, s7;
	s7 =	simm.s32 @!p0 $0x108  }
0x21: {  	s3 =	sadd.s32 s3, s9;
	s6 =	sadd.s32 @!p0 $0x88, s6;
	s7 =	simm.s32 @p2 $0x1082  }
0x22: {  	[simem:s7], [sflag:s8] =	dma.local @!p0 [hbm:s6], $0xF7A  }
0x23: {  	s9 =	sor.u32 $0xD0000000, s2;
	s6 =	simm.s32 $0x108;
	_ =	swait.ge @!p0 [sflag:s8], $0x0  }
0x24: {  	s3 =	sadd.s32 $0x88, s3;
	s6 =	simm.s32 @!p1 $0x1082;
	[sflag:s4] =	ssyncset.s32 $0xFFFFF086  }
0x25: {  	[simem:s6], [sflag:s4] =	dma.local [hbm:s3], $0xF7A  }
0x26: {  	[smem:$0x3F9E] =	sst s1;
	(tag) =	ssettag s2;
	_ =	strace s9  }
0x27: {  	s1 =	sld [smem:$0x3FAE]  }
0x28: {  	s2 =	sld [smem:$0x3FAF]  }
0x29: {  	s4 =	sld [smem:$0x3FB1]  }
0x2a: {  	p0 =	seq.s32 s5, $0x0;
	s5 =	sld [smem:$0x3FB2]  }
0x2b: {  	s6 =	sld [smem:$0x3FB3]  }
0x2c: {  	s7 =	sld [smem:$0x3FB4]  }
0x2d: {  	s3 =	simm.s32 $0x108;
	s8 =	sld [smem:$0x3FB5]  }
0x2e: {  	s3 =	simm.s32 @!p0 $0x1082;
	s9 =	sld [smem:$0x3FB6]  }
0x2f: {  	lr =	sadd.s32 s0, s3;
	s0 =	sld [smem:$0x3FAD]  }
0x30: {  	s3 =	sld [smem:$0x3FB0]  }
0x31: {  	[smem:$0x3FB9] =	sst s10  }
0x32: {  	s10 =	sld [smem:$0x3FB7];
	_ =	sdelay $0x3  }
0x33: {  	p0 =	seq.s32 s10, $0x1;
	s10 =	sld [smem:$0x3FB9];
	_ =	sdelay $0x3  }
0x34: {  	[smem:$0x3FB9] =	sst s10  }
0x35: {  	s10 =	sld [smem:$0x3FB8];
	_ =	sdelay $0x3  }
0x36: {  	p1 =	seq.s32 s10, $0x1;
	s10 =	sld [smem:$0x3FB9];
	_ =	sdelay $0x3  }
0x37: {  	[smem:$0x3FB9] =	sst s10  }
0x38: {  	s10 =	sld [smem:$0x3FBA]  }
0x39: {  	_ = 	snop;
	(pc) =	sbr.ind lr, $3  }
0x3a: {  	_ = 	snop  }
0x3b: {  	_ = 	snop  }
0x3c: {  	p2 =	seq.s32 s10, $0x1;
	s10 =	sld [smem:$0x3FB9]  }
0x3d: {  	_ =	shalt  }
0x3e: {  	_ =	shalt  }
0x3f: {  	_ =	shalt  }
0x40: {  	_ =	shalt  }
0x41: {  	_ =	shalt  }
0x42: {  	_ =	shalt  }
0x43: {  	_ =	shalt  }
0x44: {  	_ =	shalt  }
0x45: {  	_ =	shalt  }
0x46: {  	_ =	shalt  }
0x47: {  	_ =	shalt  }
0x48: {  	_ =	shalt  }
0x49: {  	_ =	shalt  }
0x4a: {  	_ =	shalt  }
0x4b: {  	_ =	shalt  }
0x4c: {  	_ =	shalt  }
0x4d: {  	_ =	shalt  }
0x4e: {  	_ =	shalt  }
0x4f: {  	_ =	shalt  }
0x50: {  	_ =	shalt  }
0x51: {  	_ =	shalt  }
0x52: {  	_ =	shalt  }
0x53: {  	_ =	shalt  }
0x54: {  	_ =	shalt  }
0x55: {  	_ =	shalt  }
0x56: {  	_ =	shalt  }
0x57: {  	_ =	shalt  }
0x58: {  	_ =	shalt  }
0x59: {  	_ =	shalt  }
0x5a: {  	_ =	shalt  }
0x5b: {  	_ =	shalt  }
0x5c: {  	_ =	shalt  }
0x5d: {  	_ =	shalt  }
0x5e: {  	_ =	shalt  }
0x5f: {  	_ =	shalt  }
0x60: {  	_ =	shalt  }
0x61: {  	_ =	shalt  }
0x62: {  	_ =	shalt  }
0x63: {  	_ =	shalt  }
0x64: {  	_ =	shalt  }
0x65: {  	_ =	shalt  }
0x66: {  	_ =	shalt  }
0x67: {  	_ =	shalt  }
0x68: {  	_ =	shalt  }
0x69: {  	_ =	shalt  }
0x6a: {  	_ =	shalt  }
0x6b: {  	_ =	shalt  }
0x6c: {  	_ =	shalt  }
0x6d: {  	_ =	shalt  }
0x6e: {  	_ =	shalt  }
0x6f: {  	_ =	shalt  }
0x70: {  	_ =	shalt  }
0x71: {  	_ =	shalt  }
0x72: {  	_ =	shalt  }
0x73: {  	_ =	shalt  }
0x74: {  	_ =	shalt  }
0x75: {  	_ =	shalt  }
0x76: {  	_ =	shalt  }
0x77: {  	_ =	shalt  }
0x78: {  	_ =	shalt  }
0x79: {  	_ =	shalt  }
0x7a: {  	_ =	shalt  }
0x7b: {  	_ =	shalt  }
0x7c: {  	_ =	shalt  }
0x7d: {  	_ =	shalt  }
0x7e: {  	_ =	shalt  }
0x7f: {  	_ =	shalt  }
0x80: {  	_ =	shalt  }
0x81: {  	_ =	shalt  }
0x82: {  	_ =	shalt  }
0x83: {  	_ =	shalt  }
0x84: {  	_ =	shalt  }
0x85: {  	_ =	shalt  }
0x86: {  	_ =	shalt  }
0x87: {  	_ =	shalt  }
.Lfunc_end0:
.L_simem_size_0:
called_computation.2_lowered:
.L_overlay_start_0:
0x88: {  	s2 =	sld [smem:$0x3FD9]  }
0x89: {  	s3 =	sld [smem:$0x3FFE];
	_ =	sdelay $0x1  }
0x8a: {  	s1 =	srdreg.scid  }
0x8b: {  	s0 =	sand.u32 $0x1, s1  }
0x8c: {  	s17 =	sshll.u32 s0, $0xA;
	s2 =	sadd.s32 s3, s2  }
0x8d: {  	s2 =	sadd.s32 s2, s17  }
0x8e: {  	[smem:$0x3FC5] =	sst s2  }
0x8f: {  	_ = 	snop  }
0x90: {  	s2 =	sld [smem:$0x3FC9]  }
0x91: {  	s18 =	sld [smem:$0x3FD0];
	(tm) =	ssettm $0x1  }
0x92: {  	s4 =	sld [smem:$0x3FFB];
	_ =	sdelay $0x3  }
0x93: {  	_ =	strace s4  }
0x94: {  	s4 =	sld [smem:$0x3FFC];
	_ =	sdelay $0x3  }
0x95: {  	_ =	strace s4  }
0x96: {  	s4 =	sld [smem:$0x3FFD];
	_ =	sdelay $0x3  }
0x97: {  	_ =	strace s4  }
0x98: {  	_ =	strace $0x8FFFFFFF  }
0x99: {  	s19 =	sld [smem:$0x3FDB];
	_ =	sdelay $0x1  }
0x9a: {  	s5 =	simm.s32 $_scs_section_size  }
0x9b: {  	s6 =	simm.s32 $_size__tile_overlayer_lowered;
	s7 =	simm.s32 $_tile_overlayer_lowered  }
0x9c: {  	s22 =	simm.s32 $0x1BFF;
	s21 =	sshll.u32 s7, $0x1;
	s4 =	sadd.s32 s5, s19  }
0x9d: {  	s8 =	simm.s32 $0x0;
	s20 =	sshll.u32 s6, $0x1;
	s6 =	sadd.s32 s21, s4  }
0x9e: {  	[timem:s8], [sflag:s22] =	dma.local [hbm:s6], s20  }
0x9f: {  	_ =	swait.ge [sflag:s22], s20  }
0xa0: {  	s5 =	ssub.s32 $0x0, s20;
	[sflag:s22] =	ssyncset.done $0x0  }
0xa1: {  	[sflag:s22] =	ssyncadd.s32 s5;
	_ =	sdelay $0x1  }
0xa2: {  	s23 =	simm.s32 $0x1B8B  }
0xa3: {  	_ =	swait.ge [sflag:s23], $0x1  }
0xa4: {  	[sflag:s23] =	ssyncset.done $0x0  }
0xa5: {  	s25 =	simm.s32 $0x1B8E;
	s24 =	sld [smem:$0x3FFE];
	[sflag:s23] =	ssyncadd.s32 $0xFFFFFFFF  }
0xa6: {  	s26 =	simm.s32 $execute0_lowered;
	[smem:$0x3FD2] =	sst s25  }
0xa7: {  	s6 =	sshll.u32 s26, $0x1;
	_ =	strace $0x8000004C;
	[dreg:$0x1] =	wrdreg $0xFFFFFFFF  }
0xa8: {  	s28 =	simm.s32 $_size_execute0_lowered;
	s4 =	sadd.s32 s4, s6;
	[dreg:$0x0] =	wrdreg $0x0  }
0xa9: {  	s6 =	sshll.u32 s28, $0x1;
	[dreg:$0x2] =	wrdreg s4  }
0xaa: {  	[dreg:$0x3] =	wrdreg s6  }
0xab: {  	[dreg:$0x4] =	wrdreg $0xC0  }
0xac: {  	_ =	task [dreg:s8], $0x5FFFF  }
0xad: {  	[dreg:$0x1] =	wrdreg $0xFFFFFFFF  }
0xae: {  	[dreg:$0x0] =	wrdreg $0x60  }
0xaf: {  	[dreg:$0x2] =	wrdreg s24  }
0xb0: {  	[dreg:$0x3] =	wrdreg s2  }
0xb1: {  	[dreg:$0x4] =	wrdreg s18  }
0xb2: {  	[dreg:$0x5] =	wrdreg $0x9  }
0xb3: {  	_ =	task.clear_ibuf [dreg:s8], $0x6FFFF;
	_ =	strace $0x9000004C  }
0xb4: {  	s29 =	simm.s32 $0x9;
	_ =	strace $0x8000004E  }
0xb5: {  	_ =	swait.ge [sflag:s29], $0x1  }
0xb6: {  	[sflag:s29] =	ssyncadd.s32 $0xFFFFFFFF  }
0xb7: {  	_ =	strace $0x9000004E  }
0xb8: {  	_ =	sfence  }
0xb9: {  	s30 =	sld [smem:$0x0];
	_ =	sdelay $0x2  }
0xba: {  	s31 =	sshll.u32 s1, $0xD;
	s1 =	sshrl.u32 s1, $0x2  }
0xbb: {  	s3 =	sand.u32 $0x4000, s31;
	s1 =	sadd.s32 s1, s30  }
0xbc: {  	s0 =	sor.u32 s3, s0;
	s1 =	sshll.u32 s1, $0x11  }
0xbd: {  	s0 =	sor.u32 s1, s0  }
0xbe: {  	s0 =	sadd.s32 $0x8F2B, s0  }
0xbf: {  	[sflag:s0] =	ssyncadd.remote.s32 $0x1  }
0xc0: {  	_ =	sfence.sel $0xFFFF  }
0xc1: {  	[dreg:$0x0] =	wrdreg $0xFFFFFFFF;
	(pc) =	sbr.abs _section_cstart, $3  }
0xc2: {  	[dreg:$0x1] =	wrdreg $0xFFFFFFFF  }
0xc3: {  	_ =	task.clear_ibuf [dreg:s8], $0x2FFFF;
	_ =	strace $0x9FFFFFFF  }
0xc4: {  	(tm) =	ssettm $0x7FFFFFFF  }
0xc5: {  	_ =	shalt  }
tec
execute0_lowered:
.L_overlay_start_1:
0x0: {  	(tag) =	ssettag $0x1  }
0x1: {  	s5 =	rddreg [dreg:$0x0]  }
0x2: {  	s1 =	rddreg [dreg:$0x1]  }
0x3: {  	s2 =	rddreg [dreg:$0x2];
	s4 =	srdreg.scid  }
0x4: {  	s0 =	rddreg [dreg:$0x3];
	s3 =	simm.s32 $0x0;
	s10 =	simm.s32 $0x6280  }
0x5: {  	s11 =	simm.s32 $0x1;
	s12 =	simm.s32 $0x2;
	s13 =	simm.s32 $0x5E80  }
.Ltmp0:
0x6: {  	s14 =	simm.s32 $0x3F00;
	s4 =	sand.u32 $0x1, s4;
	(pc) =	sbr.rel .LBB2_1-.Ltmp0, $4  }
0x7: {  	s15 =	simm.s32 $0x6300;
	s16 =	simm.s32 $0x0;
	s8 =	ssub.s32 $0x2, s4  }
0x8: {  	[smem:$0x7FF] =	sst s3;
	s6 =	sadd.s32 $0xDF400, s5;
	s9 =	sshrl.u32 s8, $0x1  }
0x9: {  	s7 =	sadd.s32 $0x2800, s5;
	s5 =	stileid.u32;
	s9 =	ssub.s32 s8, s9  }
0xa: {  	v0 =	vlaneseq.u32;
	v1 =	vimm.f32 $0.0e+00;
	_ =	strace $0x8000004D;
	s8 =	sshll.u32 s5, $0x1;
	s9 =	smax.u32 s9, $0x1  }
.LBB2_9:
0xb: {  	s16 =	sadd.s32 $0x1, s16  }
0xc: {  	p0 =	sne.s32 s16, s9  }
.Ltmp1:
0xd: {  	_ = 	snop;
	(pc) =	sbr.rel @!p0 .LBB2_10-.Ltmp1, $1  }
0xe: {  	_ =	sdelay $0x3  }
.LBB2_1:
0xf: {  	[tilespmem:s10], [sflag:$0x1] =	stream.linear.gather [hbm4b:s7+s3], $0x80, $0x38;
	[tilespmem:$0xA180] =	vst v63  }
0x10: {  	_ =	swait.ge [sflag:s11], $0x80  }
0x11: {  	[sflag:s11] =	ssyncset.done $0x0  }
0x12: {  	[sflag:s11] =	ssyncadd.s32 $0xFFFFFF80  }
0x13: {  	v2 =	vld [tilespmem:$0x6280]  }
0x14: {  	v3 =	vld [tilespmem:$0x6290]  }
0x15: {  	v4 =	vld [tilespmem:$0x62A0]  }
.Ltmp2:
0x16: {  	v5 =	vld [tilespmem:$0x62B0];
	(pc) =	sbr.rel .LBB2_2-.Ltmp2, $4  }
0x17: {  	v8 =	vld [tilespmem:$0x62E0]  }
0x18: {  	v6 =	vld [tilespmem:$0x62C0]  }
0x19: {  	v9 =	vld [tilespmem:$0x62F0]  }
0x1a: {  	s17 =	simm.s32 $0x0;
	v7 =	vld [tilespmem:$0x62D0]  }
.LBB2_8:
0x1b: {  	s17 =	sadd.s32 $0x1, s17  }
0x1c: {  	p0 =	sne.s32 s17, $0x4  }
.Ltmp3:
0x1d: {  	_ = 	snop;
	(pc) =	sbr.rel @!p0 .LBB2_9-.Ltmp3, $1  }
0x1e: {  	_ =	sdelay $0x3  }
.LBB2_2:
0x1f: {  	s18 =	sshll.u32 s17, $0x5  }
0x20: {  	s18 =	sor.u32 s8, s18  }
0x21: {  	p0 =	sgt.u32 s18, $0x63  }
.Ltmp4:
0x22: {  	_ = 	snop;
	(pc) =	sbr.rel @p0 .LBB2_8-.Ltmp4, $1  }
0x23: {  	_ =	sdelay $0x3  }
0x24: {  	s18 =	sor.u32 s4, s18  }
0x25: {  	s19 =	smul.u32 $0x1F40, s18;
	_ =	sdelay $0x1  }
0x26: {  	s19 =	sshrl.u32 s19, $0x3  }
0x27: {  	s20 =	simm.s32 $0x0;
	s19 =	sadd.s32 s6, s19  }
0x28: {  	[tilespmem:s20], [sflag:$0x2] =	stream.linear.gather [hbm4b:s19+s20], $0x1F40, $0x38;
	[tilespmem:$0xA180] =	vst v63  }
0x29: {  	_ =	swait.ge [sflag:s12], $0x1F40  }
0x2a: {  	[sflag:s12] =	ssyncset.done $0x0  }
0x2b: {  	s21 =	simm.s32 $0x1F80;
	s19 =	sadd.s32 $0x186A0, s19;
	[sflag:s12] =	ssyncadd.s32 $0xFFFFE0C0  }
0x2c: {  	[tilespmem:s21], [sflag:$0x2] =	stream.linear.gather [hbm4b:s19+s20], $0x1F40, $0x38;
	[tilespmem:$0xA180] =	vst v63  }
0x2d: {  	s31 =	smul.u32 $0x7D, s18;
	v10 =	vor.u32 s20, v0;
	v11 =	vmov s20;
	_ =	swait.ge [sflag:s12], $0x1F40  }
0x2e: {  	v10 =	vshrl.u32 v10, $0x3;
	v11 =	vshrl.u32 v11, $0x3;
	[sflag:s12] =	ssyncset.done $0x0  }
0x2f: {  	v10 =	vand.u32 $0x7F, v10;
	v11 =	vand.u32 $0x380, v11;
	s19 =	sadd.s32 s1, s31;
	[sflag:s12] =	ssyncadd.s32 $0xFFFFE0C0  }
0x30: {  	v10 =	vor.u32 v11, v10;
	[tilespmem:s13], [sflag:$0x2] =	stream.linear.gather [hbm4b:s19+s20], $0x3E8, $0x38;
	[tilespmem:$0xA180] =	vst v63  }
0x31: {  	_ =	swait.ge [sflag:s12], $0x3E8  }
0x32: {  	[sflag:s12] =	ssyncset.done $0x0  }
0x33: {  	[sflag:s12] =	ssyncadd.s32 $0xFFFFFC18  }
0x34: {  	v11 =	vld [tilespmem:s20+$0x0]  }
0x35: {  	v10 =	vld.idx.msk [tilespmem:v10+s13+$0x0], $0xffff  }
0x36: {  	v12 =	vld [tilespmem:s21+$0x0]  }
0x37: {  	s19 =	simm.s32 $0x10  }
0x38: {  	v13 =	vor.u32 s19, v0  }
0x39: {  	v14 =	vmov s19;
	v13 =	vshrl.u32 v13, $0x3  }
0x3a: {  	v14 =	vshrl.u32 v14, $0x3;
	v13 =	vand.u32 $0x7F, v13  }
0x3b: {  	v14 =	vand.u32 $0x380, v14;
	vm0 =	veq.s32 v10, $0x0;
	v10 =	vadd.f32 v12, v11  }
0x3c: {  	v11 =	vor.u32 v14, v13;
	v12 =	vsel vm0, $0x3F800000, v1  }
0x3d: {  	v10 =	vmul.f32 v10, v12  }
0x3e: {  	s20 =	simm.s32 $0x3F00  }
0x3f: {  	[tilespmem:s20+$0x0] =	vst v10  }
0x40: {  	v10 =	vld [tilespmem:s19+$0x0]  }
0x41: {  	s21 =	simm.s32 $0x1F90;
	v11 =	vld.idx.msk [tilespmem:v11+s13+$0x0], $0xffff  }
0x42: {  	v12 =	vld [tilespmem:s21+$0x0]  }
0x43: {  	s22 =	simm.s32 $0x20  }
0x44: {  	v14 =	vor.u32 s22, v0  }
0x45: {  	v13 =	vmov s22;
	s22 =	simm.s32 $0x30;
	v14 =	vshrl.u32 v14, $0x3  }
.LBB2_4:
0x46: {  	p0 =	sne.s32 s22, $0x1F30;
	v14 =	vand.u32 $0x7F, v14;
	v13 =	vshrl.u32 v13, $0x3  }
0x47: {  	vm0 =	veq.s32 v11, $0x0;
	v13 =	vand.u32 $0x380, v13;
	v10 =	vadd.f32 v12, v10  }
0x48: {  	v12 =	vsel vm0, $0x3F800000, v1;
	v11 =	vor.u32 v13, v14  }
0x49: {  	v10 =	vmul.f32 v10, v12  }
0x4a: {  	s20 =	sadd.s32 $0x10, s20  }
0x4b: {  	s19 =	sadd.s32 $0x10, s19;
	[tilespmem:s20+$0x0] =	vst v10  }
0x4c: {  	v10 =	vld [tilespmem:s19+$0x0]  }
.Ltmp5:
0x4d: {  	s21 =	sadd.s32 $0x10, s21;
	v11 =	vld.idx.msk [tilespmem:v11+s13+$0x0], $0xffff;
	(pc) =	sbr.rel @p0 .LBB2_4-.Ltmp5, $3  }
0x4e: {  	v12 =	vld [tilespmem:s21+$0x0];
	_ =	sdelay $0x1  }
0x4f: {  	v14 =	vor.u32 s22, v0  }
0x50: {  	v13 =	vmov s22;
	s22 =	sadd.s32 $0x10, s22;
	v14 =	vshrl.u32 v14, $0x3  }
0x51: {  	_ = 	snop  }
0x52: {  	v13 =	vshrl.u32 v13, $0x3;
	vm0 =	veq.s32 v11, $0x0;
	v10 =	vadd.f32 v12, v10  }
0x53: {  	v14 =	vand.u32 $0x7F, v14;
	v13 =	vand.u32 $0x380, v13;
	v12 =	vsel vm0, $0x3F800000, v1  }
0x54: {  	v11 =	vor.u32 v13, v14;
	v10 =	vmul.f32 v10, v12  }
0x55: {  	s20 =	sadd.s32 $0x10, s20  }
0x56: {  	s19 =	sadd.s32 $0x10, s19;
	[tilespmem:s20+$0x0] =	vst v10  }
0x57: {  	s25 =	sadd.s32 $0x10, s21;
	v10 =	vld [tilespmem:s19+$0x0]  }
0x58: {  	v12 =	vld [tilespmem:s25+$0x0]  }
0x59: {  	v11 =	vld.idx.msk [tilespmem:v11+s13+$0x0], $0xffff  }
0x5a: {  	s26 =	simm.s32 $0x0  }
0x5b: {  	v13 =	vmov s26  }
0x5c: {  	s28 =	simm.s32 $0x1;
	v13 =	vand.u32 $0xFFFFFFF8, v13  }
0x5d: {  	v14 =	vmov s28;
	v13 =	vbroadcast v13, $0x0  }
0x5e: {  	s29 =	simm.s32 $0x2;
	v10 =	vadd.f32 v12, v10;
	vm15 =	veq.s32 v11, $0x0;
	v11 =	vand.u32 $0xFFFFFFF9, v14  }
0x5f: {  	v14 =	vmov s29;
	v12 =	vsel vm15, $0x3F800000, v1;
	v11 =	vbroadcast v11, $0x0  }
0x60: {  	s30 =	simm.s32 $0x3;
	v10 =	vmul.f32 v10, v12;
	v12 =	vand.u32 $0xFFFFFFFA, v14  }
0x61: {  	s20 =	sadd.s32 $0x10, s20;
	v14 =	vmov s30;
	v12 =	vbroadcast v12, $0x0  }
0x62: {  	s31 =	simm.s32 $0x4;
	[tilespmem:s20+$0x0] =	vst v10;
	v10 =	vand.u32 $0xFFFFFFFB, v14  }
0x63: {  	v14 =	vmov s31;
	v13 =	vld.idx.msk [tilespmem:v13+s14+$0x0], $0xffff;
	v10 =	vbroadcast v10, $0x0  }
0x64: {  	s20 =	simm.s32 $0x5;
	v14 =	vand.u32 $0xFFFFFFFC, v14  }
0x65: {  	v15 =	vmov s20;
	v14 =	vbroadcast v14, $0x0;
	v11 =	vld.idx.msk [tilespmem:v11+s14+$0x0], $0xffff  }
0x66: {  	s21 =	simm.s32 $0x6;
	v15 =	vand.u32 $0xFFFFFFFD, v15  }
0x67: {  	v16 =	vmov s21;
	v15 =	vbroadcast v15, $0x0;
	v12 =	vld.idx.msk [tilespmem:v12+s14+$0x0], $0xffff  }
0x68: {  	v16 =	vand.u32 $0xFFFFFFFE, v16;
	v13 =	vmul.f32 v13, v2  }
0x69: {  	v16 =	vbroadcast v16, $0x0;
	v10 =	vld.idx.msk [tilespmem:v10+s14+$0x0], $0xffff  }
0x6a: {  	v13 =	vadd.f32 $0.0e+00, v13;
	v11 =	vmul.f32 v11, v3  }
0x6b: {  	s22 =	simm.s32 $0x7;
	v14 =	vld.idx.msk [tilespmem:v14+s14+$0x0], $0xffff  }
0x6c: {  	v17 =	vmov s22;
	v11 =	vadd.f32 v11, v13;
	v12 =	vmul.f32 v12, v4  }
0x6d: {  	v13 =	vld.idx.msk [tilespmem:v15+s14+$0x0], $0xffff  }
0x6e: {  	v11 =	vadd.f32 v12, v11;
	v10 =	vmul.f32 v10, v5  }
0x6f: {  	v12 =	vld.idx.msk [tilespmem:v16+s14+$0x0], $0xffff  }
0x70: {  	v10 =	vadd.f32 v10, v11;
	v11 =	vmul.f32 v14, v6  }
0x71: {  	v14 =	vld.idx.msk [tilespmem:v17+s14+$0x0], $0xffff  }
0x72: {  	s23 =	simm.s32 $0x8;
	v10 =	vadd.f32 v11, v10;
	v11 =	vmul.f32 v13, v7  }
0x73: {  	v13 =	vmov s23  }
0x74: {  	s24 =	simm.s32 $0x9;
	v13 =	vand.u32 $0xFFFFFFF8, v13;
	v10 =	vadd.f32 v11, v10;
	v11 =	vmul.f32 v12, v8  }
0x75: {  	v12 =	vbroadcast v13, $0x0;
	v13 =	vmov s24  }
0x76: {  	s25 =	simm.s32 $0xA;
	v13 =	vand.u32 $0xFFFFFFF9, v13;
	v10 =	vadd.f32 v11, v10;
	v11 =	vmul.f32 v14, v9  }
0x77: {  	v13 =	vbroadcast v13, $0x0;
	v14 =	vmov s25  }
0x78: {  	s26 =	simm.s32 $0xB;
	v14 =	vand.u32 $0xFFFFFFFA, v14;
	v10 =	vadd.f32 v11, v10  }
0x79: {  	s19 =	simm.s32 $0x6300;
	v11 =	vbroadcast v14, $0x0;
	v14 =	vmov s26  }
0x7a: {  	v14 =	vand.u32 $0xFFFFFFFB, v14;
	[tilespmem:s19+$0x0] =	vst v10  }
0x7b: {  	s28 =	simm.s32 $0xC;
	v10 =	vld.idx.msk [tilespmem:v12+s14+$0x0], $0xffff;
	v12 =	vbroadcast v14, $0x0  }
0x7c: {  	v14 =	vmov s28  }
0x7d: {  	s29 =	simm.s32 $0xD;
	v14 =	vand.u32 $0xFFFFFFFC, v14;
	v13 =	vld.idx.msk [tilespmem:v13+s14+$0x0], $0xffff  }
0x7e: {  	v15 =	vmov s29;
	v14 =	vbroadcast v14, $0x0  }
0x7f: {  	s30 =	simm.s32 $0xE;
	v15 =	vand.u32 $0xFFFFFFFD, v15;
	v11 =	vld.idx.msk [tilespmem:v11+s14+$0x0], $0xffff  }
0x80: {  	v63 =	vmov s30;
	v15 =	vbroadcast v15, $0x0;
	v10 =	vmul.f32 v10, v2  }
0x81: {  	v16 =	vand.u32 $0xFFFFFFFE, v63;
	v12 =	vld.idx.msk [tilespmem:v12+s14+$0x0], $0xffff  }
0x82: {  	v16 =	vbroadcast v16, $0x0;
	v13 =	vmul.f32 v13, v3;
	v10 =	vadd.f32 $0.0e+00, v10;
	_ =	sdelay $0x1  }
0x83: {  	s31 =	simm.s32 $0xF;
	v14 =	vld.idx.msk [tilespmem:v14+s14+$0x0], $0xffff;
	v11 =	vmul.f32 v11, v4;
	v10 =	vadd.f32 v13, v10  }
0x84: {  	v13 =	vmov s31  }
0x85: {  	v15 =	vld.idx.msk [tilespmem:v15+s14+$0x0], $0xffff;
	v10 =	vadd.f32 v11, v10;
	v11 =	vmul.f32 v12, v5;
	_ =	sdelay $0x1  }
0x86: {  	v12 =	vadd.f32 v11, v10;
	v11 =	vld.idx.msk [tilespmem:v16+s14+$0x0], $0xffff  }
0x87: {  	v14 =	vmul.f32 v14, v6  }
0x88: {  	v10 =	vld.idx.msk [tilespmem:v13+s14+$0x0], $0xffff  }
0x89: {  	s22 =	simm.s32 $0x10;
	s21 =	simm.s32 $0x1F;
	s20 =	simm.s32 $0x17;
	v13 =	vmul.f32 v15, v7;
	v12 =	vadd.f32 v14, v12  }
.LBB2_6:
0x8a: {  	p0 =	sne.s32 s21, $0x1F3F;
	v14 =	vmov s22  }
0x8b: {  	s22 =	sadd.s32 $0xFFFFFFFA, s20;
	v11 =	vmul.f32 v11, v8;
	v14 =	vand.u32 $0xFFFFFFF8, v14;
	v12 =	vadd.f32 v13, v12  }
0x8c: {  	v13 =	vbroadcast v14, $0x0;
	v14 =	vmov s22  }
0x8d: {  	s22 =	sadd.s32 $0xFFFFFFFB, s20;
	v10 =	vmul.f32 v10, v9;
	v14 =	vand.u32 $0xFFFFFFF9, v14;
	v11 =	vadd.f32 v11, v12  }
0x8e: {  	v12 =	vbroadcast v14, $0x0;
	v14 =	vmov s22  }
0x8f: {  	s22 =	sadd.s32 $0xFFFFFFFC, s20;
	v14 =	vand.u32 $0xFFFFFFFA, v14;
	v10 =	vadd.f32 v10, v11  }
0x90: {  	s19 =	sadd.s32 $0x10, s19;
	v11 =	vbroadcast v14, $0x0;
	v14 =	vmov s22  }
0x91: {  	s22 =	sadd.s32 $0xFFFFFFFD, s20;
	v14 =	vand.u32 $0xFFFFFFFB, v14;
	[tilespmem:s19+$0x0] =	vst v10  }
0x92: {  	v10 =	vld.idx.msk [tilespmem:v13+s14+$0x0], $0xffff;
	v13 =	vbroadcast v14, $0x0;
	v14 =	vmov s22  }
0x93: {  	s22 =	sadd.s32 $0xFFFFFFFE, s20;
	v14 =	vand.u32 $0xFFFFFFFC, v14  }
0x94: {  	v15 =	vmov s22;
	v12 =	vld.idx.msk [tilespmem:v12+s14+$0x0], $0xffff;
	v14 =	vbroadcast v14, $0x0  }
0x95: {  	s22 =	sadd.s32 $0xFFFFFFFF, s20;
	v15 =	vand.u32 $0xFFFFFFFD, v15  }
0x96: {  	v16 =	vmov s22;
	v15 =	vbroadcast v15, $0x0;
	v11 =	vld.idx.msk [tilespmem:v11+s14+$0x0], $0xffff  }
0x97: {  	v16 =	vand.u32 $0xFFFFFFFE, v16  }
0x98: {  	v16 =	vbroadcast v16, $0x0;
	v10 =	vmul.f32 v10, v2;
	v13 =	vld.idx.msk [tilespmem:v13+s14+$0x0], $0xffff;
	_ =	sdelay $0x1  }
0x99: {  	v10 =	vadd.f32 $0.0e+00, v10;
	v12 =	vmul.f32 v12, v3;
	v14 =	vld.idx.msk [tilespmem:v14+s14+$0x0], $0xffff  }
0x9a: {  	v17 =	vmov s20;
	s20 =	smov.u32 s21  }
0x9b: {  	v10 =	vadd.f32 v12, v10;
	v11 =	vmul.f32 v11, v4;
	v15 =	vld.idx.msk [tilespmem:v15+s14+$0x0], $0xffff;
	_ =	sdelay $0x1  }
.Ltmp6:
0x9c: {  	v10 =	vadd.f32 v11, v10;
	v12 =	vmul.f32 v13, v5;
	v11 =	vld.idx.msk [tilespmem:v16+s14+$0x0], $0xffff;
	(pc) =	sbr.rel @p0 .LBB2_6-.Ltmp6, $3  }
0x9d: {  	_ = 	snop  }
0x9e: {  	v12 =	vadd.f32 v12, v10;
	v13 =	vmul.f32 v14, v6;
	v10 =	vld.idx.msk [tilespmem:v17+s14+$0x0], $0xffff;
	_ =	sdelay $0x1  }
0x9f: {  	s21 =	sadd.s32 $0x8, s21;
	s22 =	sadd.s32 $0xFFFFFFF9, s20;
	v12 =	vadd.f32 v13, v12;
	v13 =	vmul.f32 v15, v7  }
0xa0: {  	v14 =	vmov s22  }
0xa1: {  	s21 =	sadd.s32 $0xFFFFFFFA, s20;
	v11 =	vmul.f32 v11, v8;
	v14 =	vand.u32 $0xFFFFFFF8, v14;
	v12 =	vadd.f32 v13, v12  }
0xa2: {  	v55 =	vmov s21;
	v54 =	vbroadcast v14, $0x0  }
0xa3: {  	s26 =	sadd.s32 $0xFFFFFFFB, s20;
	v14 =	vand.u32 $0xFFFFFFF9, v55;
	v10 =	vmul.f32 v10, v9;
	v11 =	vadd.f32 v11, v12  }
0xa4: {  	v57 =	vmov s26;
	v56 =	vbroadcast v14, $0x0  }
0xa5: {  	s28 =	sadd.s32 $0xFFFFFFFC, s20;
	v14 =	vand.u32 $0xFFFFFFFA, v57;
	v10 =	vadd.f32 v10, v11  }
0xa6: {  	s19 =	sadd.s32 $0x10, s19;
	v58 =	vmov s28;
	v11 =	vbroadcast v14, $0x0  }
0xa7: {  	s29 =	sadd.s32 $0xFFFFFFFD, s20;
	v14 =	vand.u32 $0xFFFFFFFB, v58;
	[tilespmem:s19+$0x0] =	vst v10  }
0xa8: {  	v60 =	vmov s29;
	v59 =	vbroadcast v14, $0x0;
	v10 =	vld.idx.msk [tilespmem:v54+s14+$0x0], $0xffff  }
0xa9: {  	s30 =	sadd.s32 $0xFFFFFFFE, s20;
	v14 =	vand.u32 $0xFFFFFFFC, v60  }
0xaa: {  	v15 =	vmov s30;
	v14 =	vbroadcast v14, $0x0;
	v12 =	vld.idx.msk [tilespmem:v56+s14+$0x0], $0xffff  }
0xab: {  	s31 =	sadd.s32 $0xFFFFFFFF, s20;
	v15 =	vand.u32 $0xFFFFFFFD, v15  }
0xac: {  	v16 =	vmov s31;
	v15 =	vbroadcast v15, $0x0;
	v11 =	vld.idx.msk [tilespmem:v11+s14+$0x0], $0xffff  }
0xad: {  	v16 =	vand.u32 $0xFFFFFFFE, v16;
	v10 =	vmul.f32 v10, v2  }
0xae: {  	v16 =	vbroadcast v16, $0x0;
	v13 =	vld.idx.msk [tilespmem:v59+s14+$0x0], $0xffff  }
0xaf: {  	v12 =	vmul.f32 v12, v3;
	v10 =	vadd.f32 $0.0e+00, v10  }
0xb0: {  	v14 =	vld.idx.msk [tilespmem:v14+s14+$0x0], $0xffff  }
0xb1: {  	v17 =	vmov s20;
	v11 =	vmul.f32 v11, v4;
	v10 =	vadd.f32 v12, v10  }
0xb2: {  	v61 =	vld.idx.msk [tilespmem:v15+s14+$0x0], $0xffff  }
0xb3: {  	v10 =	vadd.f32 v11, v10;
	v11 =	vmul.f32 v13, v5  }
0xb4: {  	v62 =	vld.idx.msk [tilespmem:v16+s14+$0x0], $0xffff  }
0xb5: {  	v10 =	vadd.f32 v11, v10;
	v11 =	vmul.f32 v14, v6  }
0xb6: {  	v63 =	vld.idx.msk [tilespmem:v17+s14+$0x0], $0xffff  }
0xb7: {  	v10 =	vadd.f32 v11, v10;
	v11 =	vmul.f32 v61, v7;
	_ =	sdelay $0x1  }
0xb8: {  	v10 =	vadd.f32 v11, v10;
	v11 =	vmul.f32 v62, v8;
	_ =	sdelay $0x1  }
0xb9: {  	v10 =	vadd.f32 v11, v10;
	v11 =	vmul.f32 v63, v9;
	_ =	sdelay $0x1  }
0xba: {  	s18 =	smul.u32 $0x7D0, s18;
	v10 =	vadd.f32 v11, v10  }
0xbb: {  	s19 =	sadd.s32 $0x10, s19  }
.Ltmp7:
0xbc: {  	s18 =	sadd.s32 s2, s18;
	[tilespmem:s19+$0x0] =	vst v10;
	(pc) =	sbr.rel .LBB2_8-.Ltmp7, $4  }
0xbd: {  	[hbm4b:s18+s3] =	stream.linear.scatter [tilespmem:s15], [sflag:$0x1], $0x3E80, $0x38;
	[tilespmem:$0xA180] =	vst v63  }
0xbe: {  	_ =	swait.ge [sflag:s11], $0x3E80  }
0xbf: {  	[sflag:s11] =	ssyncset.done $0x0  }
0xc0: {  	[sflag:s11] =	ssyncadd.s32 $0xFFFFC180  }
.LBB2_10:
0xc1: {  	_ =	sfence.sel $0x180000  }
0xc2: {  	[bflag:$0x0] =	sbarrier.arrive $0xFFFF  }
0xc3: {  	p0 =	sne.s32 s5, $0x0;
	_ =	strace $0x9000004D  }
0xc4: {  	s0 =	sadd.s32 @!p0 $0x100000, s0;
	[bflag:$0x2] =	sbarrier.arrive $0xFFFF  }
0xc5: {  	[sflag:s0] =	ssyncadd.tile.s32 @!p0 $0x1;
	_ =	shalt  }
.Lfunc_end2:
_tile_overlayer_lowered:
.L_overlay_start_2:
0xc6: {  	(tag) =	ssettag $0x2  }
0xc7: {  	s0 =	rddreg [dreg:$0x0];
	s2 =	stileid.u32  }
0xc8: {  	s1 =	rddreg [dreg:$0x1];
	p0 =	sne.s32 s2, $0x0  }
0xc9: {  	s3 =	rddreg [dreg:$0x2];
	[bflag:$0x3] =	sbarrier.arrive $0xFFFF;
	s2 =	simm.s32 @!p0 $0x1C01  }
0xca: {  	[timem:s3], [sflag:s2] =	dma.local @!p0 [hbm:s0], s1  }
0xcb: {  	s0 =	simm.s32 @!p0 $0x1  }
0xcc: {  	_ =	swait.ge @!p0 [sflag:s0], s1  }
0xcd: {  	s1 =	ssub.s32 @!p0 $0x0, s1;
	[sflag:s0] =	ssyncset.done @!p0 $0x0  }
0xce: {  	[sflag:s0] =	ssyncadd.s32 @!p0 s1  }
0xcf: {  	[bflag:$0x3] =	sbarrier.arrive $0xFFFF  }
0xd0: {  	_ =	shalt  }

// kernel: kernel.6.cloned.1.call-start
scs
__scs_entry_jumppad:
0x0: {  	(pc) =	sbr.rel $0x88, $3  }
0x1: {  	(tag) =	ssettag $0x0;
	lr =	simm.s32 $0x1  }
0x2: {  	[smem:$0x3F9E] =	sst lr;
	_ =	strace $0xD0000000  }
0x3: {  	_ = 	snop  }
0x4: {  	_ = 	snop  }
0x5: {  	_ = 	snop  }
0x6: {  	_ = 	snop  }
0x7: {  	_ = 	snop  }
__scs_overlays_trampoline_lowered:
0x8: {  	[smem:$0x3FAD] =	sst s0  }
0x9: {  	[smem:$0x3FAE] =	sst s1  }
0xa: {  	[smem:$0x3FAF] =	sst s2  }
0xb: {  	[smem:$0x3FB0] =	sst s3  }
0xc: {  	[smem:$0x3FB1] =	sst s4  }
0xd: {  	[smem:$0x3FB2] =	sst s5  }
0xe: {  	[smem:$0x3FB3] =	sst s6  }
0xf: {  	[smem:$0x3FB4] =	sst s7  }
0x10: {  	[smem:$0x3FB5] =	sst s8  }
0x11: {  	[smem:$0x3FB6] =	sst s9;
	s0 =	simm.s32 @!p0 $0x0  }
0x12: {  	s1 =	sld [smem:$0x3F9C];
	s0 =	simm.s32 @p0 $0x1  }
0x13: {  	[smem:$0x3FB7] =	sst s0;
	s0 =	simm.s32 @!p1 $0x0  }
0x14: {  	s2 =	sld [smem:$0x3F9B];
	s0 =	simm.s32 @p1 $0x1  }
0x15: {  	[smem:$0x3FB8] =	sst s0;
	s0 =	simm.s32 @!p2 $0x0  }
0x16: {  	s3 =	sld [smem:$0x3FDB];
	s0 =	simm.s32 @p2 $0x1  }
0x17: {  	s4 =	simm.s32 $0x1BF5;
	[smem:$0x3FBA] =	sst s0  }
0x18: {  	s0 =	sld [smem:$0x3F9D];
	_ =	swait.ge [sflag:s4], $0x0  }
0x19: {  	s7 =	sld [smem:$0x3F9E]  }
0x1a: {  	s8 =	sadd.s32 $0xFFFFE003, lr  }
0x1b: {  	s9 =	sadd.s32 $0xFFFFFEF7, lr;
	s5 =	simm.s32 $0xFFFFFFFF;
	p2 =	slt.u32 s8, $0xFFFFF086  }
0x1c: {  	p1 =	slt.u32 s9, $0xF7A;
	s5 =	simm.s32 @!p2 $0x0  }
0x1d: {  	s5 =	simm.s32 @p1 $0x1;
	p0 =	seq.s32 s7, s2  }
0x1e: {  	s7 =	smul.u32 @!p0 $0xF7A, s2;
	p2 =	seq.s32 @!p0 s5, $0x0  }
0x1f: {  	s9 =	smul.u32 $0xF7A, s1;
	s8 =	simm.s32 @!p0 $0x1BF5;
	p2 =	por !p2, p0  }
0x20: {  	[sflag:s8] =	ssyncset.s32 @!p0 $0xFFFFF086;
	s6 =	sadd.s32 @!p0 s3, s7;
	s7 =	simm.s32 @!p0 $0x108  }
0x21: {  	s3 =	sadd.s32 s3, s9;
	s6 =	sadd.s32 @!p0 $0x88, s6;
	s7 =	simm.s32 @p2 $0x1082  }
0x22: {  	[simem:s7], [sflag:s8] =	dma.local @!p0 [hbm:s6], $0xF7A  }
0x23: {  	s9 =	sor.u32 $0xD0000000, s2;
	s6 =	simm.s32 $0x108;
	_ =	swait.ge @!p0 [sflag:s8], $0x0  }
0x24: {  	s3 =	sadd.s32 $0x88, s3;
	s6 =	simm.s32 @!p1 $0x1082;
	[sflag:s4] =	ssyncset.s32 $0xFFFFF086  }
0x25: {  	[simem:s6], [sflag:s4] =	dma.local [hbm:s3], $0xF7A  }
0x26: {  	[smem:$0x3F9E] =	sst s1;
	(tag) =	ssettag s2;
	_ =	strace s9  }
0x27: {  	s1 =	sld [smem:$0x3FAE]  }
0x28: {  	s2 =	sld [smem:$0x3FAF]  }
0x29: {  	s4 =	sld [smem:$0x3FB1]  }
0x2a: {  	p0 =	seq.s32 s5, $0x0;
	s5 =	sld [smem:$0x3FB2]  }
0x2b: {  	s6 =	sld [smem:$0x3FB3]  }
0x2c: {  	s7 =	sld [smem:$0x3FB4]  }
0x2d: {  	s3 =	simm.s32 $0x108;
	s8 =	sld [smem:$0x3FB5]  }
0x2e: {  	s3 =	simm.s32 @!p0 $0x1082;
	s9 =	sld [smem:$0x3FB6]  }
0x2f: {  	lr =	sadd.s32 s0, s3;
	s0 =	sld [smem:$0x3FAD]  }
0x30: {  	s3 =	sld [smem:$0x3FB0]  }
0x31: {  	[smem:$0x3FB9] =	sst s10  }
0x32: {  	s10 =	sld [smem:$0x3FB7];
	_ =	sdelay $0x3  }
0x33: {  	p0 =	seq.s32 s10, $0x1;
	s10 =	sld [smem:$0x3FB9];
	_ =	sdelay $0x3  }
0x34: {  	[smem:$0x3FB9] =	sst s10  }
0x35: {  	s10 =	sld [smem:$0x3FB8];
	_ =	sdelay $0x3  }
0x36: {  	p1 =	seq.s32 s10, $0x1;
	s10 =	sld [smem:$0x3FB9];
	_ =	sdelay $0x3  }
0x37: {  	[smem:$0x3FB9] =	sst s10  }
0x38: {  	s10 =	sld [smem:$0x3FBA]  }
0x39: {  	_ = 	snop;
	(pc) =	sbr.ind lr, $3  }
0x3a: {  	_ = 	snop  }
0x3b: {  	_ = 	snop  }
0x3c: {  	p2 =	seq.s32 s10, $0x1;
	s10 =	sld [smem:$0x3FB9]  }
0x3d: {  	_ =	shalt  }
0x3e: {  	_ =	shalt  }
0x3f: {  	_ =	shalt  }
0x40: {  	_ =	shalt  }
0x41: {  	_ =	shalt  }
0x42: {  	_ =	shalt  }
0x43: {  	_ =	shalt  }
0x44: {  	_ =	shalt  }
0x45: {  	_ =	shalt  }
0x46: {  	_ =	shalt  }
0x47: {  	_ =	shalt  }
0x48: {  	_ =	shalt  }
0x49: {  	_ =	shalt  }
0x4a: {  	_ =	shalt  }
0x4b: {  	_ =	shalt  }
0x4c: {  	_ =	shalt  }
0x4d: {  	_ =	shalt  }
0x4e: {  	_ =	shalt  }
0x4f: {  	_ =	shalt  }
0x50: {  	_ =	shalt  }
0x51: {  	_ =	shalt  }
0x52: {  	_ =	shalt  }
0x53: {  	_ =	shalt  }
0x54: {  	_ =	shalt  }
0x55: {  	_ =	shalt  }
0x56: {  	_ =	shalt  }
0x57: {  	_ =	shalt  }
0x58: {  	_ =	shalt  }
0x59: {  	_ =	shalt  }
0x5a: {  	_ =	shalt  }
0x5b: {  	_ =	shalt  }
0x5c: {  	_ =	shalt  }
0x5d: {  	_ =	shalt  }
0x5e: {  	_ =	shalt  }
0x5f: {  	_ =	shalt  }
0x60: {  	_ =	shalt  }
0x61: {  	_ =	shalt  }
0x62: {  	_ =	shalt  }
0x63: {  	_ =	shalt  }
0x64: {  	_ =	shalt  }
0x65: {  	_ =	shalt  }
0x66: {  	_ =	shalt  }
0x67: {  	_ =	shalt  }
0x68: {  	_ =	shalt  }
0x69: {  	_ =	shalt  }
0x6a: {  	_ =	shalt  }
0x6b: {  	_ =	shalt  }
0x6c: {  	_ =	shalt  }
0x6d: {  	_ =	shalt  }
0x6e: {  	_ =	shalt  }
0x6f: {  	_ =	shalt  }
0x70: {  	_ =	shalt  }
0x71: {  	_ =	shalt  }
0x72: {  	_ =	shalt  }
0x73: {  	_ =	shalt  }
0x74: {  	_ =	shalt  }
0x75: {  	_ =	shalt  }
0x76: {  	_ =	shalt  }
0x77: {  	_ =	shalt  }
0x78: {  	_ =	shalt  }
0x79: {  	_ =	shalt  }
0x7a: {  	_ =	shalt  }
0x7b: {  	_ =	shalt  }
0x7c: {  	_ =	shalt  }
0x7d: {  	_ =	shalt  }
0x7e: {  	_ =	shalt  }
0x7f: {  	_ =	shalt  }
0x80: {  	_ =	shalt  }
0x81: {  	_ =	shalt  }
0x82: {  	_ =	shalt  }
0x83: {  	_ =	shalt  }
0x84: {  	_ =	shalt  }
0x85: {  	_ =	shalt  }
0x86: {  	_ =	shalt  }
0x87: {  	_ =	shalt  }
.Lfunc_end0:
.L_simem_size_0:
called_computation_lowered:
.L_overlay_start_0:
0x88: {  	s2 =	sld [smem:$0x3FD9]  }
0x89: {  	s3 =	sld [smem:$0x3FFE];
	_ =	sdelay $0x1  }
0x8a: {  	s1 =	srdreg.scid  }
0x8b: {  	s0 =	sand.u32 $0x1, s1  }
0x8c: {  	s17 =	sshll.u32 s0, $0xA;
	s2 =	sadd.s32 s3, s2  }
0x8d: {  	s2 =	sadd.s32 s2, s17  }
0x8e: {  	[smem:$0x3FC5] =	sst s2  }
0x8f: {  	_ = 	snop  }
0x90: {  	s2 =	sld [smem:$0x3FC8]  }
0x91: {  	s18 =	sld [smem:$0x3FD0];
	(tm) =	ssettm $0x1  }
0x92: {  	s4 =	sld [smem:$0x3FFB];
	_ =	sdelay $0x3  }
0x93: {  	_ =	strace s4  }
0x94: {  	s4 =	sld [smem:$0x3FFC];
	_ =	sdelay $0x3  }
0x95: {  	_ =	strace s4  }
0x96: {  	s4 =	sld [smem:$0x3FFD];
	_ =	sdelay $0x3  }
0x97: {  	_ =	strace s4  }
0x98: {  	_ =	strace $0x8FFFFFFF  }
0x99: {  	s19 =	sld [smem:$0x3FDB];
	_ =	sdelay $0x1  }
0x9a: {  	s5 =	simm.s32 $_scs_section_size  }
0x9b: {  	s6 =	simm.s32 $_size__tile_overlayer_lowered;
	s7 =	simm.s32 $_tile_overlayer_lowered  }
0x9c: {  	s22 =	simm.s32 $0x1BFF;
	s21 =	sshll.u32 s7, $0x1;
	s4 =	sadd.s32 s5, s19  }
0x9d: {  	s8 =	simm.s32 $0x0;
	s20 =	sshll.u32 s6, $0x1;
	s6 =	sadd.s32 s21, s4  }
0x9e: {  	[timem:s8], [sflag:s22] =	dma.local [hbm:s6], s20  }
0x9f: {  	_ =	swait.ge [sflag:s22], s20  }
0xa0: {  	s5 =	ssub.s32 $0x0, s20;
	[sflag:s22] =	ssyncset.done $0x0  }
0xa1: {  	[sflag:s22] =	ssyncadd.s32 s5;
	_ =	sdelay $0x1  }
0xa2: {  	s23 =	simm.s32 $0x1B8B  }
0xa3: {  	_ =	swait.ge [sflag:s23], $0x1  }
0xa4: {  	[sflag:s23] =	ssyncset.done $0x0  }
0xa5: {  	s25 =	simm.s32 $0x1B8E;
	s24 =	sld [smem:$0x3FFE];
	[sflag:s23] =	ssyncadd.s32 $0xFFFFFFFF  }
0xa6: {  	s26 =	simm.s32 $execute0_lowered;
	[smem:$0x3FD2] =	sst s25  }
0xa7: {  	s6 =	sshll.u32 s26, $0x1;
	_ =	strace $0x80000046;
	[dreg:$0x1] =	wrdreg $0xFFFFFFFF  }
0xa8: {  	s28 =	simm.s32 $_size_execute0_lowered;
	s4 =	sadd.s32 s4, s6;
	[dreg:$0x0] =	wrdreg $0x0  }
0xa9: {  	s6 =	sshll.u32 s28, $0x1;
	[dreg:$0x2] =	wrdreg s4  }
0xaa: {  	[dreg:$0x3] =	wrdreg s6  }
0xab: {  	[dreg:$0x4] =	wrdreg $0xC0  }
0xac: {  	_ =	task [dreg:s8], $0x5FFFF  }
0xad: {  	[dreg:$0x1] =	wrdreg $0xFFFFFFFF  }
0xae: {  	[dreg:$0x0] =	wrdreg $0x60  }
0xaf: {  	[dreg:$0x2] =	wrdreg s24  }
0xb0: {  	[dreg:$0x3] =	wrdreg s2  }
0xb1: {  	[dreg:$0x4] =	wrdreg s18  }
0xb2: {  	[dreg:$0x5] =	wrdreg $0x8C000  }
0xb3: {  	[dreg:$0x6] =	wrdreg $0x9  }
0xb4: {  	_ =	task.clear_ibuf [dreg:s8], $0x7FFFF;
	_ =	strace $0x90000046  }
0xb5: {  	s29 =	simm.s32 $0x9;
	_ =	strace $0x80000048  }
0xb6: {  	_ =	swait.ge [sflag:s29], $0x1  }
0xb7: {  	[sflag:s29] =	ssyncadd.s32 $0xFFFFFFFF  }
0xb8: {  	_ =	strace $0x90000048  }
0xb9: {  	_ =	sfence  }
0xba: {  	s30 =	sld [smem:$0x0];
	_ =	sdelay $0x2  }
0xbb: {  	s31 =	sshll.u32 s1, $0xD;
	s1 =	sshrl.u32 s1, $0x2  }
0xbc: {  	s3 =	sand.u32 $0x4000, s31;
	s1 =	sadd.s32 s1, s30  }
0xbd: {  	s0 =	sor.u32 s3, s0;
	s1 =	sshll.u32 s1, $0x11  }
0xbe: {  	s0 =	sor.u32 s1, s0  }
0xbf: {  	s0 =	sadd.s32 $0x8F2B, s0  }
0xc0: {  	[sflag:s0] =	ssyncadd.remote.s32 $0x1  }
0xc1: {  	_ =	sfence.sel $0xFFFF  }
0xc2: {  	[dreg:$0x0] =	wrdreg $0xFFFFFFFF;
	(pc) =	sbr.abs _section_cstart, $3  }
0xc3: {  	[dreg:$0x1] =	wrdreg $0xFFFFFFFF  }
0xc4: {  	_ =	task.clear_ibuf [dreg:s8], $0x2FFFF;
	_ =	strace $0x9FFFFFFF  }
0xc5: {  	(tm) =	ssettm $0x7FFFFFFF  }
tec
execute0_lowered:
.L_overlay_start_1:
0x0: {  	(tag) =	ssettag $0x1  }
0x1: {  	s0 =	rddreg [dreg:$0x0]  }
0x2: {  	s2 =	rddreg [dreg:$0x1]  }
0x3: {  	s4 =	rddreg [dreg:$0x2]  }
0x4: {  	s1 =	rddreg [dreg:$0x3]  }
0x5: {  	s3 =	simm.s32 $0x0;
	s5 =	srdreg.scid;
	s19 =	stileid.u32  }
0x6: {  	s28 =	simm.s32 $0x2;
	s29 =	simm.s32 $0x6280;
	s30 =	simm.s32 $0x80  }
0x7: {  	s31 =	simm.s32 $0x6300;
	[smem:$0x7FF] =	sst s3;
	s7 =	smul.u32 $0x30D40, s19  }
0x8: {  	s5 =	sand.u32 $0x1, s5;
	s6 =	sadd.s32 $0x2800, s0;
	s9 =	smul.u32 $0xC350, s19  }
0x9: {  	s0 =	sadd.s32 $0x3600, s0;
	_ =	strace $0x80000047;
	[dreg:$0x5] =	wrdreg s6  }
0xa: {  	s25 =	sshll.u32 s19, $0x6;
	s21 =	ssub.s32 $0x2, s5;
	[dreg:$0x6] =	wrdreg s0  }
0xb: {  	s10 =	smul.u32 $0xC3500, s5;
	s6 =	sshll.u32 s19, $0x1;
	s26 =	sshll.u32 s5, $0x5  }
0xc: {  	s22 =	sshrl.u32 s21, $0x1;
	s7 =	sshrl.u32 s7, $0x2;
	s8 =	sadd.s32 s9, s1  }
0xd: {  	s0 =	ssub.s32 s21, s22;
	s7 =	sadd.s32 s7, s1;
	s9 =	sadd.s32 s9, s10  }
0xe: {  	s15 =	sadd.s32 $0x2710, s8;
	s17 =	sadd.s32 $0x4E20, s8;
	s19 =	sadd.s32 $0x7530, s8  }
0xf: {  	s21 =	sadd.s32 $0x9C40, s8;
	s0 =	smax.u32 s0, $0x1;
	s23 =	sadd.s32 $0x2710, s7  }
0x10: {  	s24 =	sshrl.u32 s9, $0x3;
	s11 =	sadd.s32 $0x4E20, s7;
	[dreg:$0x7] =	wrdreg s0  }
0x11: {  	s12 =	sadd.s32 $0x7530, s7;
	s14 =	sadd.s32 $0x9C40, s7;
	[dreg:$0x8] =	wrdreg s23  }
.Ltmp0:
0x12: {  	s13 =	sadd.s32 s4, s24;
	s0 =	sadd.s32 s25, s2;
	(pc) =	sbr.rel .LBB2_1-.Ltmp0, $4  }
0x13: {  	s24 =	simm.s32 $0x1;
	s25 =	simm.s32 $0x6480;
	s2 =	simm.s32 $0x6380  }
0x14: {  	s4 =	simm.s32 $0x0;
	s16 =	sadd.s32 $0x4E2, s13;
	s18 =	sadd.s32 $0x9C4, s13  }
0x15: {  	s20 =	sadd.s32 $0xEA6, s13;
	s0 =	sadd.s32 s26, s0;
	s22 =	sadd.s32 $0x1388, s13  }
0x16: {  	v0 =	vimm.f32 $1.000000000e+00;
	s26 =	simm.s32 $0x6200;
	s5 =	sadd.s32 $0x10, s0;
	s0 =	simm.s32 $0x6400  }
.LBB2_5:
0x17: {  	[bflag:$0x0] =	sbarrier.arrive $0xFFFF  }
0x18: {  	[tilespmem:s25], [sflag:$0x1] =	stream.linear.gather [spmem:s8], $0x2710, $0x38;
	[tilespmem:$0x14F50] =	vst v63  }
0x19: {  	_ =	swait.ge [sflag:s24], $0x2710  }
0x1a: {  	[sflag:s24] =	ssyncset.done $0x0  }
0x1b: {  	[sflag:s24] =	ssyncadd.s32 $0xFFFFD8F0  }
0x1c: {  	[hbm4b:s13+s3] =	stream.linear.scatter [tilespmem:s25], [sflag:$0x1], $0x2710, $0x38;
	[tilespmem:$0x14F50] =	vst v63  }
0x1d: {  	_ =	swait.ge [sflag:s24], $0x2710  }
0x1e: {  	[sflag:s24] =	ssyncset.done $0x0  }
0x1f: {  	[sflag:s24] =	ssyncadd.s32 $0xFFFFD8F0  }
0x20: {  	[tilespmem:s25], [sflag:$0x1] =	stream.linear.gather [spmem:s15], $0x2710, $0x38;
	[tilespmem:$0x14F50] =	vst v63  }
0x21: {  	_ =	swait.ge [sflag:s24], $0x2710  }
0x22: {  	[sflag:s24] =	ssyncset.done $0x0  }
0x23: {  	[sflag:s24] =	ssyncadd.s32 $0xFFFFD8F0  }
0x24: {  	[hbm4b:s16+s3] =	stream.linear.scatter [tilespmem:s25], [sflag:$0x1], $0x2710, $0x38;
	[tilespmem:$0x14F50] =	vst v63  }
0x25: {  	_ =	swait.ge [sflag:s24], $0x2710  }
0x26: {  	[sflag:s24] =	ssyncset.done $0x0  }
0x27: {  	[sflag:s24] =	ssyncadd.s32 $0xFFFFD8F0  }
0x28: {  	[tilespmem:s25], [sflag:$0x1] =	stream.linear.gather [spmem:s17], $0x2710, $0x38;
	[tilespmem:$0x14F50] =	vst v63  }
0x29: {  	_ =	swait.ge [sflag:s24], $0x2710  }
0x2a: {  	[sflag:s24] =	ssyncset.done $0x0  }
0x2b: {  	[sflag:s24] =	ssyncadd.s32 $0xFFFFD8F0  }
0x2c: {  	[hbm4b:s18+s3] =	stream.linear.scatter [tilespmem:s25], [sflag:$0x1], $0x2710, $0x38;
	[tilespmem:$0x14F50] =	vst v63  }
0x2d: {  	_ =	swait.ge [sflag:s24], $0x2710  }
0x2e: {  	[sflag:s24] =	ssyncset.done $0x0  }
0x2f: {  	[sflag:s24] =	ssyncadd.s32 $0xFFFFD8F0  }
0x30: {  	[tilespmem:s25], [sflag:$0x1] =	stream.linear.gather [spmem:s19], $0x2710, $0x38;
	[tilespmem:$0x14F50] =	vst v63  }
0x31: {  	_ =	swait.ge [sflag:s24], $0x2710  }
0x32: {  	[sflag:s24] =	ssyncset.done $0x0  }
0x33: {  	[sflag:s24] =	ssyncadd.s32 $0xFFFFD8F0  }
0x34: {  	[hbm4b:s20+s3] =	stream.linear.scatter [tilespmem:s25], [sflag:$0x1], $0x2710, $0x38;
	[tilespmem:$0x14F50] =	vst v63  }
0x35: {  	_ =	swait.ge [sflag:s24], $0x2710  }
0x36: {  	[sflag:s24] =	ssyncset.done $0x0  }
0x37: {  	[sflag:s24] =	ssyncadd.s32 $0xFFFFD8F0  }
0x38: {  	[tilespmem:s25], [sflag:$0x1] =	stream.linear.gather [spmem:s21], $0x2710, $0x38;
	[tilespmem:$0x14F50] =	vst v63  }
0x39: {  	_ =	swait.ge [sflag:s24], $0x2710  }
0x3a: {  	[sflag:s24] =	ssyncset.done $0x0  }
0x3b: {  	[sflag:s24] =	ssyncadd.s32 $0xFFFFD8F0  }
0x3c: {  	[hbm4b:s22+s3] =	stream.linear.scatter [tilespmem:s25], [sflag:$0x1], $0x2710, $0x38;
	[tilespmem:$0x14F50] =	vst v63  }
0x3d: {  	_ =	swait.ge [sflag:s24], $0x2710  }
0x3e: {  	s4 =	sadd.s32 $0x1, s4;
	s9 =	rddreg [dreg:$0x7]  }
0x3f: {  	p0 =	sne.s32 s4, s9  }
.Ltmp1:
0x40: {  	_ = 	snop;
	(pc) =	sbr.rel @!p0 .LBB2_6-.Ltmp1, $3  }
0x41: {  	_ =	sdelay $0x1  }
0x42: {  	[sflag:s24] =	ssyncset.done $0x0  }
0x43: {  	[sflag:s24] =	ssyncadd.s32 $0xFFFFD8F0  }
.LBB2_1:
0x44: {  	s9 =	rddreg [dreg:$0x5]  }
0x45: {  	[tilespmem:s3], [sflag:$0x1] =	stream.linear.gather [hbm4b:s9+s3], $0x6200, $0x38;
	[tilespmem:$0x14F50] =	vst v63  }
0x46: {  	_ =	swait.ge [sflag:s24], $0x6200  }
0x47: {  	[sflag:s24] =	ssyncset.done $0x0  }
0x48: {  	[sflag:s24] =	ssyncadd.s32 $0xFFFF9E00  }
0x49: {  	[tilespmem:$0x6400] =	vst v0  }
0x4a: {  	[tilespmem:$0x6410] =	vst v0  }
0x4b: {  	[tilespmem:$0x6420] =	vst v0  }
0x4c: {  	[tilespmem:$0x6430] =	vst v0  }
0x4d: {  	[tilespmem:$0x6440] =	vst v0  }
0x4e: {  	[tilespmem:$0x6450] =	vst v0  }
0x4f: {  	[tilespmem:$0x6460] =	vst v0  }
0x50: {  	s10 =	rddreg [dreg:$0x6];
	[tilespmem:$0x6470] =	vst v0  }
0x51: {  	[tilespmem:s25], [sflag:$0x1] =	stream.linear.gather [hbm4b:s10+s3], $0x2710, $0x38;
	[tilespmem:$0x14F50] =	vst v63  }
0x52: {  	_ =	swait.ge [sflag:s24], $0x2710  }
0x53: {  	[sflag:s24] =	ssyncset.done $0x0  }
0x54: {  	[sflag:s24] =	ssyncadd.s32 $0xFFFFD8F0  }
0x55: {  	[spmem:s7] =	stream.linear.scatter [tilespmem:s25], [sflag:$0x1], $0x2710, $0x38;
	[tilespmem:$0x14F50] =	vst v63  }
0x56: {  	_ =	swait.ge [sflag:s24], $0x2710  }
0x57: {  	[sflag:s24] =	ssyncset.done $0x0  }
0x58: {  	s23 =	rddreg [dreg:$0x8];
	[sflag:s24] =	ssyncadd.s32 $0xFFFFD8F0  }
0x59: {  	[spmem:s23] =	stream.linear.scatter [tilespmem:s25], [sflag:$0x1], $0x2710, $0x38;
	[tilespmem:$0x14F50] =	vst v63  }
0x5a: {  	_ =	swait.ge [sflag:s24], $0x2710  }
0x5b: {  	[sflag:s24] =	ssyncset.done $0x0  }
0x5c: {  	[sflag:s24] =	ssyncadd.s32 $0xFFFFD8F0  }
0x5d: {  	[spmem:s11] =	stream.linear.scatter [tilespmem:s25], [sflag:$0x1], $0x2710, $0x38;
	[tilespmem:$0x14F50] =	vst v63  }
0x5e: {  	_ =	swait.ge [sflag:s24], $0x2710  }
0x5f: {  	[sflag:s24] =	ssyncset.done $0x0  }
0x60: {  	[sflag:s24] =	ssyncadd.s32 $0xFFFFD8F0  }
0x61: {  	[spmem:s12] =	stream.linear.scatter [tilespmem:s25], [sflag:$0x1], $0x2710, $0x38;
	[tilespmem:$0x14F50] =	vst v63  }
0x62: {  	_ =	swait.ge [sflag:s24], $0x2710  }
0x63: {  	[sflag:s24] =	ssyncset.done $0x0  }
0x64: {  	[sflag:s24] =	ssyncadd.s32 $0xFFFFD8F0  }
0x65: {  	[spmem:s14] =	stream.linear.scatter [tilespmem:s25], [sflag:$0x1], $0x2710, $0x38;
	[tilespmem:$0x14F50] =	vst v63  }
.Ltmp2:
0x66: {  	_ =	swait.ge [sflag:s24], $0x2710;
	(pc) =	sbr.rel .LBB2_2-.Ltmp2, $4  }
0x67: {  	[sflag:s24] =	ssyncset.done $0x0  }
0x68: {  	[sflag:s24] =	ssyncadd.s32 $0xFFFFD8F0  }
0x69: {  	[bflag:$0x0] =	sbarrier.arrive $0xFFFF  }
0x6a: {  	s9 =	simm.s32 $0x0;
	s23 =	smov.u32 s5  }
.LBB2_4:
0x6b: {  	s9 =	sadd.s32 $0x20, s9  }
0x6c: {  	p0 =	sne.s32 s9, $0x61C0  }
.Ltmp3:
0x6d: {  	_ = 	snop;
	(pc) =	sbr.rel @!p0 .LBB2_5-.Ltmp3, $2  }
0x6e: {  	_ =	sdelay $0x2  }
0x6f: {  	s23 =	sadd.s32 $0x400, s23  }
.LBB2_2:
0x70: {  	s10 =	sadd.s32 s9, s6  }
0x71: {  	p0 =	sgt.u32 s10, $0x61A7  }
.Ltmp4:
0x72: {  	_ = 	snop;
	(pc) =	sbr.rel @p0 .LBB2_4-.Ltmp4, $1  }
0x73: {  	_ =	sdelay $0x3  }
0x74: {  	s10 =	sadd.s32 $0xFFFFFFF0, s23  }
0x75: {  	[tilespmem:s26], [sflag:$0x2] =	stream.linear.gather [hbm4b:s10+s3], $0x80, $0x38;
	[tilespmem:$0x14F50] =	vst v63  }
0x76: {  	_ =	swait.ge [sflag:s28], $0x80  }
0x77: {  	[sflag:s28] =	ssyncset.done $0x0  }
0x78: {  	[sflag:s28] =	ssyncadd.s32 $0xFFFFFF80  }
0x79: {  	[tilespmem:s29], [sflag:$0x2] =	stream.linear.gather [hbm4b:s23+s3], $0x80, $0x38;
	[tilespmem:$0x14F50] =	vst v63  }
0x7a: {  	_ =	swait.ge [sflag:s28], $0x80  }
0x7b: {  	[sflag:s28] =	ssyncset.done $0x0  }
0x7c: {  	[sflag:s28] =	ssyncadd.s32 $0xFFFFFF80  }
0x7d: {  	v1 =	vld [tilespmem:$0x6200]  }
0x7e: {  	v2 =	vld [tilespmem:$0x6280];
	_ =	sdelay $0x3  }
0x7f: {  	v3 =	vshrl.u32 v1, $0x2  }
0x80: {  	v4 =	vshrl.u32 v2, $0x2;
	_ =	sdelay $0x1  }
0x81: {  	v5 =	vld [tilespmem:$0x6210]  }
0x82: {  	v6 =	vld [tilespmem:$0x6290]  }
0x83: {  	v3 =	vld.idx.msk [tilespmem:v3+s3+$0x0], $0xffff  }
0x84: {  	v4 =	vld.idx.msk [tilespmem:v4+s3+$0x0], $0xffff;
	_ =	sdelay $0x1  }
0x85: {  	v1 =	vshll.u32 v1, $0x3  }
0x86: {  	v2 =	vshll.u32 v2, $0x3;
	v7 =	vand.u32 $0x18, v1  }
0x87: {  	v8 =	vshrl.u32 v5, $0x2;
	v26 =	vand.u32 $0x18, v2;
	v3 =	vshrl.u32 v3, v7  }
0x88: {  	v27 =	vshrl.u32 v6, $0x2;
	v4 =	vshrl.u32 v4, v26;
	v3 =	vand.u32 $0xFF, v3  }
0x89: {  	v4 =	vand.u32 $0xFF, v4;
	v2 =	vadd.s32 v2, v3  }
0x8a: {  	v28 =	vld [tilespmem:$0x62A0];
	v1 =	vadd.s32 v1, v4;
	[tilespmem:$0x6300] =	vst v2  }
0x8b: {  	v3 =	vld [tilespmem:$0x6220];
	[tilespmem:$0x6380] =	vst v1  }
0x8c: {  	v1 =	vld.idx.msk [tilespmem:v8+s3+$0x0], $0xffff  }
0x8d: {  	v2 =	vld.idx.msk [tilespmem:v27+s3+$0x0], $0xffff;
	_ =	sdelay $0x1  }
0x8e: {  	v5 =	vshll.u32 v5, $0x3  }
0x8f: {  	v6 =	vshll.u32 v6, $0x3;
	v29 =	vand.u32 $0x18, v5  }
0x90: {  	v30 =	vand.u32 $0x18, v6;
	v31 =	vshrl.u32 v3, $0x2;
	v1 =	vshrl.u32 v1, v29  }
0x91: {  	v32 =	vshrl.u32 v28, $0x2;
	v2 =	vshrl.u32 v2, v30;
	v1 =	vand.u32 $0xFF, v1  }
0x92: {  	v2 =	vand.u32 $0xFF, v2;
	v1 =	vadd.s32 v6, v1  }
0x93: {  	v33 =	vld [tilespmem:$0x6230];
	[tilespmem:$0x6310] =	vst v1;
	v1 =	vadd.s32 v5, v2  }
0x94: {  	v34 =	vld [tilespmem:$0x62B0];
	[tilespmem:$0x6390] =	vst v1  }
0x95: {  	v1 =	vld.idx.msk [tilespmem:v31+s3+$0x0], $0xffff  }
0x96: {  	v2 =	vld.idx.msk [tilespmem:v32+s3+$0x0], $0xffff;
	_ =	sdelay $0x1  }
0x97: {  	v3 =	vshll.u32 v3, $0x3  }
0x98: {  	v4 =	vshll.u32 v28, $0x3;
	v35 =	vand.u32 $0x18, v3  }
0x99: {  	v37 =	vshrl.u32 v33, $0x2;
	v36 =	vand.u32 $0x18, v4;
	v1 =	vshrl.u32 v1, v35  }
0x9a: {  	v38 =	vshrl.u32 v34, $0x2;
	v2 =	vshrl.u32 v2, v36;
	v1 =	vand.u32 $0xFF, v1  }
0x9b: {  	v2 =	vand.u32 $0xFF, v2;
	v1 =	vadd.s32 v4, v1  }
0x9c: {  	v39 =	vld [tilespmem:$0x62C0];
	[tilespmem:$0x6320] =	vst v1;
	v1 =	vadd.s32 v3, v2  }
0x9d: {  	v3 =	vld [tilespmem:$0x6240];
	[tilespmem:$0x63A0] =	vst v1  }
0x9e: {  	v1 =	vld.idx.msk [tilespmem:v37+s3+$0x0], $0xffff  }
0x9f: {  	v2 =	vld.idx.msk [tilespmem:v38+s3+$0x0], $0xffff;
	_ =	sdelay $0x1  }
0xa0: {  	v5 =	vshll.u32 v33, $0x3  }
0xa1: {  	v6 =	vshll.u32 v34, $0x3;
	v40 =	vand.u32 $0x18, v5  }
0xa2: {  	v41 =	vand.u32 $0x18, v6;
	v42 =	vshrl.u32 v3, $0x2;
	v1 =	vshrl.u32 v1, v40  }
0xa3: {  	v43 =	vshrl.u32 v39, $0x2;
	v2 =	vshrl.u32 v2, v41;
	v1 =	vand.u32 $0xFF, v1  }
0xa4: {  	v2 =	vand.u32 $0xFF, v2;
	v1 =	vadd.s32 v6, v1  }
0xa5: {  	v44 =	vld [tilespmem:$0x6250];
	[tilespmem:$0x6330] =	vst v1;
	v1 =	vadd.s32 v5, v2  }
0xa6: {  	v45 =	vld [tilespmem:$0x62D0];
	[tilespmem:$0x63B0] =	vst v1  }
0xa7: {  	v1 =	vld.idx.msk [tilespmem:v42+s3+$0x0], $0xffff  }
0xa8: {  	v2 =	vld.idx.msk [tilespmem:v43+s3+$0x0], $0xffff;
	_ =	sdelay $0x1  }
0xa9: {  	v3 =	vshll.u32 v3, $0x3  }
0xaa: {  	v4 =	vshll.u32 v39, $0x3;
	v46 =	vand.u32 $0x18, v3  }
0xab: {  	v48 =	vshrl.u32 v44, $0x2;
	v47 =	vand.u32 $0x18, v4;
	v1 =	vshrl.u32 v1, v46  }
0xac: {  	v49 =	vshrl.u32 v45, $0x2;
	v2 =	vshrl.u32 v2, v47;
	v1 =	vand.u32 $0xFF, v1  }
0xad: {  	v2 =	vand.u32 $0xFF, v2;
	v1 =	vadd.s32 v4, v1  }
0xae: {  	v50 =	vld [tilespmem:$0x62E0];
	[tilespmem:$0x6340] =	vst v1;
	v1 =	vadd.s32 v3, v2  }
0xaf: {  	v3 =	vld [tilespmem:$0x6260];
	[tilespmem:$0x63C0] =	vst v1  }
0xb0: {  	v1 =	vld.idx.msk [tilespmem:v48+s3+$0x0], $0xffff  }
0xb1: {  	v2 =	vld.idx.msk [tilespmem:v49+s3+$0x0], $0xffff;
	_ =	sdelay $0x1  }
0xb2: {  	v5 =	vshll.u32 v44, $0x3  }
0xb3: {  	v6 =	vshll.u32 v45, $0x3;
	v51 =	vand.u32 $0x18, v5  }
0xb4: {  	v52 =	vand.u32 $0x18, v6;
	v53 =	vshrl.u32 v3, $0x2;
	v1 =	vshrl.u32 v1, v51  }
0xb5: {  	v54 =	vshrl.u32 v50, $0x2;
	v2 =	vshrl.u32 v2, v52;
	v1 =	vand.u32 $0xFF, v1  }
0xb6: {  	v2 =	vand.u32 $0xFF, v2;
	v1 =	vadd.s32 v6, v1  }
0xb7: {  	v55 =	vld [tilespmem:$0x6270];
	[tilespmem:$0x6350] =	vst v1;
	v1 =	vadd.s32 v5, v2  }
0xb8: {  	v56 =	vld [tilespmem:$0x62F0];
	[tilespmem:$0x63D0] =	vst v1  }
0xb9: {  	v1 =	vld.idx.msk [tilespmem:v53+s3+$0x0], $0xffff  }
0xba: {  	v2 =	vld.idx.msk [tilespmem:v54+s3+$0x0], $0xffff;
	_ =	sdelay $0x1  }
0xbb: {  	v3 =	vshll.u32 v3, $0x3  }
0xbc: {  	v4 =	vshll.u32 v50, $0x3;
	v57 =	vand.u32 $0x18, v3  }
0xbd: {  	v59 =	vshrl.u32 v55, $0x2;
	v58 =	vand.u32 $0x18, v4;
	v1 =	vshrl.u32 v1, v57  }
0xbe: {  	v60 =	vshrl.u32 v56, $0x2;
	v2 =	vshrl.u32 v2, v58;
	v1 =	vand.u32 $0xFF, v1  }
0xbf: {  	v2 =	vand.u32 $0xFF, v2;
	v1 =	vadd.s32 v4, v1  }
0xc0: {  	[tilespmem:$0x6360] =	vst v1;
	v1 =	vadd.s32 v3, v2  }
0xc1: {  	[tilespmem:$0x63E0] =	vst v1  }
0xc2: {  	v1 =	vld.idx.msk [tilespmem:v59+s3+$0x0], $0xffff  }
0xc3: {  	v2 =	vld.idx.msk [tilespmem:v60+s3+$0x0], $0xffff;
	_ =	sdelay $0x1  }
0xc4: {  	v3 =	vshll.u32 v55, $0x3  }
0xc5: {  	v62 =	vshll.u32 v56, $0x3;
	v61 =	vand.u32 $0x18, v3  }
0xc6: {  	v63 =	vand.u32 $0x18, v62;
	v1 =	vshrl.u32 v1, v61  }
0xc7: {  	v2 =	vshrl.u32 v2, v63;
	v1 =	vand.u32 $0xFF, v1  }
0xc8: {  	v2 =	vand.u32 $0xFF, v2;
	v1 =	vadd.s32 v62, v1  }
0xc9: {  	[tilespmem:$0x6370] =	vst v1;
	v1 =	vadd.s32 v3, v2  }
0xca: {  	[tilespmem:$0x63F0] =	vst v1  }
0xcb: {  	[spmem:s1] =	stream.indirect.scatter.add.f32 [tilespmem:s0], [sflag:$0x2], $0x1, s31, s30, $0xb8;
	[tilespmem:$0x14F50] =	vst v63  }
0xcc: {  	_ =	swait.ge [sflag:s28], $0x80  }
0xcd: {  	[sflag:s28] =	ssyncset.done $0x0  }
.Ltmp5:
0xce: {  	[sflag:s28] =	ssyncadd.s32 $0xFFFFFF80;
	(pc) =	sbr.rel .LBB2_4-.Ltmp5, $4  }
0xcf: {  	[spmem:s1] =	stream.indirect.scatter.add.f32 [tilespmem:s0], [sflag:$0x1], $0x1, s2, s30, $0xb8;
	[tilespmem:$0x14F50] =	vst v63  }
0xd0: {  	_ =	swait.ge [sflag:s24], $0x80  }
0xd1: {  	[sflag:s24] =	ssyncset.done $0x0  }
0xd2: {  	[sflag:s24] =	ssyncadd.s32 $0xFFFFFF80  }
.LBB2_6:
0xd3: {  	_ =	sfence.sel $0x180000  }
0xd4: {  	[bflag:$0x0] =	sbarrier.arrive $0xFFFF  }
0xd5: {  	_ =	strace $0x90000047  }
0xd6: {  	s0 =	stileid.u32;
	[bflag:$0x2] =	sbarrier.arrive $0xFFFF  }
0xd7: {  	p0 =	sne.s32 s0, $0x0;
	s0 =	rddreg [dreg:$0x4]  }
0xd8: {  	s0 =	sadd.s32 @!p0 $0x100000, s0  }
0xd9: {  	[sflag:s0] =	ssyncadd.tile.s32 @!p0 $0x1;
	_ =	shalt  }
.Lfunc_end2:
_tile_overlayer_lowered:
.L_overlay_start_2:
0xda: {  	(tag) =	ssettag $0x2  }
0xdb: {  	s0 =	rddreg [dreg:$0x0];
	s2 =	stileid.u32  }
0xdc: {  	s1 =	rddreg [dreg:$0x1];
	p0 =	sne.s32 s2, $0x0  }
0xdd: {  	s3 =	rddreg [dreg:$0x2];
	[bflag:$0x3] =	sbarrier.arrive $0xFFFF;
	s2 =	simm.s32 @!p0 $0x1C01  }
0xde: {  	[timem:s3], [sflag:s2] =	dma.local @!p0 [hbm:s0], s1  }
0xdf: {  	s0 =	simm.s32 @!p0 $0x1  }
0xe0: {  	_ =	swait.ge @!p0 [sflag:s0], s1  }
0xe1: {  	s1 =	ssub.s32 @!p0 $0x0, s1;
	[sflag:s0] =	ssyncset.done @!p0 $0x0  }
0xe2: {  	[sflag:s0] =	ssyncadd.s32 @!p0 s1  }
0xe3: {  	[bflag:$0x3] =	sbarrier.arrive $0xFFFF  }
0xe4: {  	_ =	shalt  }

// kernel: kernel.9.cloned.1.call-start
scs
__scs_entry_jumppad:
0x0: {  	(pc) =	sbr.rel $0x88, $3  }
0x1: {  	(tag) =	ssettag $0x0;
	lr =	simm.s32 $0x1  }
0x2: {  	[smem:$0x3F9E] =	sst lr;
	_ =	strace $0xD0000000  }
0x3: {  	_ = 	snop  }
0x4: {  	_ = 	snop  }
0x5: {  	_ = 	snop  }
0x6: {  	_ = 	snop  }
0x7: {  	_ = 	snop  }
__scs_overlays_trampoline_lowered:
0x8: {  	[smem:$0x3FAD] =	sst s0  }
0x9: {  	[smem:$0x3FAE] =	sst s1  }
0xa: {  	[smem:$0x3FAF] =	sst s2  }
0xb: {  	[smem:$0x3FB0] =	sst s3  }
0xc: {  	[smem:$0x3FB1] =	sst s4  }
0xd: {  	[smem:$0x3FB2] =	sst s5  }
0xe: {  	[smem:$0x3FB3] =	sst s6  }
0xf: {  	[smem:$0x3FB4] =	sst s7  }
0x10: {  	[smem:$0x3FB5] =	sst s8  }
0x11: {  	[smem:$0x3FB6] =	sst s9;
	s0 =	simm.s32 @!p0 $0x0  }
0x12: {  	s1 =	sld [smem:$0x3F9C];
	s0 =	simm.s32 @p0 $0x1  }
0x13: {  	[smem:$0x3FB7] =	sst s0;
	s0 =	simm.s32 @!p1 $0x0  }
0x14: {  	s2 =	sld [smem:$0x3F9B];
	s0 =	simm.s32 @p1 $0x1  }
0x15: {  	[smem:$0x3FB8] =	sst s0;
	s0 =	simm.s32 @!p2 $0x0  }
0x16: {  	s3 =	sld [smem:$0x3FDB];
	s0 =	simm.s32 @p2 $0x1  }
0x17: {  	s4 =	simm.s32 $0x1BF5;
	[smem:$0x3FBA] =	sst s0  }
0x18: {  	s0 =	sld [smem:$0x3F9D];
	_ =	swait.ge [sflag:s4], $0x0  }
0x19: {  	s7 =	sld [smem:$0x3F9E]  }
0x1a: {  	s8 =	sadd.s32 $0xFFFFE003, lr  }
0x1b: {  	s9 =	sadd.s32 $0xFFFFFEF7, lr;
	s5 =	simm.s32 $0xFFFFFFFF;
	p2 =	slt.u32 s8, $0xFFFFF086  }
0x1c: {  	p1 =	slt.u32 s9, $0xF7A;
	s5 =	simm.s32 @!p2 $0x0  }
0x1d: {  	s5 =	simm.s32 @p1 $0x1;
	p0 =	seq.s32 s7, s2  }
0x1e: {  	s7 =	smul.u32 @!p0 $0xF7A, s2;
	p2 =	seq.s32 @!p0 s5, $0x0  }
0x1f: {  	s9 =	smul.u32 $0xF7A, s1;
	s8 =	simm.s32 @!p0 $0x1BF5;
	p2 =	por !p2, p0  }
0x20: {  	[sflag:s8] =	ssyncset.s32 @!p0 $0xFFFFF086;
	s6 =	sadd.s32 @!p0 s3, s7;
	s7 =	simm.s32 @!p0 $0x108  }
0x21: {  	s3 =	sadd.s32 s3, s9;
	s6 =	sadd.s32 @!p0 $0x88, s6;
	s7 =	simm.s32 @p2 $0x1082  }
0x22: {  	[simem:s7], [sflag:s8] =	dma.local @!p0 [hbm:s6], $0xF7A  }
0x23: {  	s9 =	sor.u32 $0xD0000000, s2;
	s6 =	simm.s32 $0x108;
	_ =	swait.ge @!p0 [sflag:s8], $0x0  }
0x24: {  	s3 =	sadd.s32 $0x88, s3;
	s6 =	simm.s32 @!p1 $0x1082;
	[sflag:s4] =	ssyncset.s32 $0xFFFFF086  }
0x25: {  	[simem:s6], [sflag:s4] =	dma.local [hbm:s3], $0xF7A  }
0x26: {  	[smem:$0x3F9E] =	sst s1;
	(tag) =	ssettag s2;
	_ =	strace s9  }
0x27: {  	s1 =	sld [smem:$0x3FAE]  }
0x28: {  	s2 =	sld [smem:$0x3FAF]  }
0x29: {  	s4 =	sld [smem:$0x3FB1]  }
0x2a: {  	p0 =	seq.s32 s5, $0x0;
	s5 =	sld [smem:$0x3FB2]  }
0x2b: {  	s6 =	sld [smem:$0x3FB3]  }
0x2c: {  	s7 =	sld [smem:$0x3FB4]  }
0x2d: {  	s3 =	simm.s32 $0x108;
	s8 =	sld [smem:$0x3FB5]  }
0x2e: {  	s3 =	simm.s32 @!p0 $0x1082;
	s9 =	sld [smem:$0x3FB6]  }
0x2f: {  	lr =	sadd.s32 s0, s3;
	s0 =	sld [smem:$0x3FAD]  }
0x30: {  	s3 =	sld [smem:$0x3FB0]  }
0x31: {  	[smem:$0x3FB9] =	sst s10  }
0x32: {  	s10 =	sld [smem:$0x3FB7];
	_ =	sdelay $0x3  }
0x33: {  	p0 =	seq.s32 s10, $0x1;
	s10 =	sld [smem:$0x3FB9];
	_ =	sdelay $0x3  }
0x34: {  	[smem:$0x3FB9] =	sst s10  }
0x35: {  	s10 =	sld [smem:$0x3FB8];
	_ =	sdelay $0x3  }
0x36: {  	p1 =	seq.s32 s10, $0x1;
	s10 =	sld [smem:$0x3FB9];
	_ =	sdelay $0x3  }
0x37: {  	[smem:$0x3FB9] =	sst s10  }
0x38: {  	s10 =	sld [smem:$0x3FBA]  }
0x39: {  	_ = 	snop;
	(pc) =	sbr.ind lr, $3  }
0x3a: {  	_ = 	snop  }
0x3b: {  	_ = 	snop  }
0x3c: {  	p2 =	seq.s32 s10, $0x1;
	s10 =	sld [smem:$0x3FB9]  }
0x3d: {  	_ =	shalt  }
0x3e: {  	_ =	shalt  }
0x3f: {  	_ =	shalt  }
0x40: {  	_ =	shalt  }
0x41: {  	_ =	shalt  }
0x42: {  	_ =	shalt  }
0x43: {  	_ =	shalt  }
0x44: {  	_ =	shalt  }
0x45: {  	_ =	shalt  }
0x46: {  	_ =	shalt  }
0x47: {  	_ =	shalt  }
0x48: {  	_ =	shalt  }
0x49: {  	_ =	shalt  }
0x4a: {  	_ =	shalt  }
0x4b: {  	_ =	shalt  }
0x4c: {  	_ =	shalt  }
0x4d: {  	_ =	shalt  }
0x4e: {  	_ =	shalt  }
0x4f: {  	_ =	shalt  }
0x50: {  	_ =	shalt  }
0x51: {  	_ =	shalt  }
0x52: {  	_ =	shalt  }
0x53: {  	_ =	shalt  }
0x54: {  	_ =	shalt  }
0x55: {  	_ =	shalt  }
0x56: {  	_ =	shalt  }
0x57: {  	_ =	shalt  }
0x58: {  	_ =	shalt  }
0x59: {  	_ =	shalt  }
0x5a: {  	_ =	shalt  }
0x5b: {  	_ =	shalt  }
0x5c: {  	_ =	shalt  }
0x5d: {  	_ =	shalt  }
0x5e: {  	_ =	shalt  }
0x5f: {  	_ =	shalt  }
0x60: {  	_ =	shalt  }
0x61: {  	_ =	shalt  }
0x62: {  	_ =	shalt  }
0x63: {  	_ =	shalt  }
0x64: {  	_ =	shalt  }
0x65: {  	_ =	shalt  }
0x66: {  	_ =	shalt  }
0x67: {  	_ =	shalt  }
0x68: {  	_ =	shalt  }
0x69: {  	_ =	shalt  }
0x6a: {  	_ =	shalt  }
0x6b: {  	_ =	shalt  }
0x6c: {  	_ =	shalt  }
0x6d: {  	_ =	shalt  }
0x6e: {  	_ =	shalt  }
0x6f: {  	_ =	shalt  }
0x70: {  	_ =	shalt  }
0x71: {  	_ =	shalt  }
0x72: {  	_ =	shalt  }
0x73: {  	_ =	shalt  }
0x74: {  	_ =	shalt  }
0x75: {  	_ =	shalt  }
0x76: {  	_ =	shalt  }
0x77: {  	_ =	shalt  }
0x78: {  	_ =	shalt  }
0x79: {  	_ =	shalt  }
0x7a: {  	_ =	shalt  }
0x7b: {  	_ =	shalt  }
0x7c: {  	_ =	shalt  }
0x7d: {  	_ =	shalt  }
0x7e: {  	_ =	shalt  }
0x7f: {  	_ =	shalt  }
0x80: {  	_ =	shalt  }
0x81: {  	_ =	shalt  }
0x82: {  	_ =	shalt  }
0x83: {  	_ =	shalt  }
0x84: {  	_ =	shalt  }
0x85: {  	_ =	shalt  }
0x86: {  	_ =	shalt  }
0x87: {  	_ =	shalt  }
.Lfunc_end0:
.L_simem_size_0:
called_computation.1_lowered:
.L_overlay_start_0:
0x88: {  	s2 =	sld [smem:$0x3FD9]  }
0x89: {  	s3 =	sld [smem:$0x3FFE];
	_ =	sdelay $0x1  }
0x8a: {  	s1 =	srdreg.scid  }
0x8b: {  	s0 =	sand.u32 $0x1, s1  }
0x8c: {  	s17 =	sshll.u32 s0, $0xA;
	s2 =	sadd.s32 s3, s2  }
0x8d: {  	s2 =	sadd.s32 s2, s17  }
0x8e: {  	[smem:$0x3FC5] =	sst s2  }
0x8f: {  	_ = 	snop  }
0x90: {  	s2 =	sld [smem:$0x3FD0];
	(tm) =	ssettm $0x1  }
0x91: {  	s18 =	sld [smem:$0x3FFB];
	_ =	sdelay $0x3  }
0x92: {  	_ =	strace s18  }
0x93: {  	s3 =	sld [smem:$0x3FFC];
	_ =	sdelay $0x3  }
0x94: {  	_ =	strace s3  }
0x95: {  	s3 =	sld [smem:$0x3FFD];
	_ =	sdelay $0x3  }
0x96: {  	_ =	strace s3  }
0x97: {  	_ =	strace $0x8FFFFFFF  }
0x98: {  	s19 =	sld [smem:$0x3FDB];
	_ =	sdelay $0x1  }
0x99: {  	s4 =	simm.s32 $_scs_section_size  }
0x9a: {  	s5 =	simm.s32 $_size__tile_overlayer_lowered;
	s6 =	simm.s32 $_tile_overlayer_lowered  }
0x9b: {  	s22 =	simm.s32 $0x1BFF;
	s21 =	sshll.u32 s6, $0x1;
	s3 =	sadd.s32 s4, s19  }
0x9c: {  	s7 =	simm.s32 $0x0;
	s20 =	sshll.u32 s5, $0x1;
	s5 =	sadd.s32 s21, s3  }
0x9d: {  	[timem:s7], [sflag:s22] =	dma.local [hbm:s5], s20  }
0x9e: {  	_ =	swait.ge [sflag:s22], s20  }
0x9f: {  	s4 =	ssub.s32 $0x0, s20;
	[sflag:s22] =	ssyncset.done $0x0  }
0xa0: {  	[sflag:s22] =	ssyncadd.s32 s4;
	_ =	sdelay $0x1  }
0xa1: {  	s23 =	simm.s32 $0x1B8B  }
0xa2: {  	_ =	swait.ge [sflag:s23], $0x1  }
0xa3: {  	[sflag:s23] =	ssyncset.done $0x0  }
0xa4: {  	s25 =	simm.s32 $0x1B8E;
	s24 =	sld [smem:$0x3FFE];
	[sflag:s23] =	ssyncadd.s32 $0xFFFFFFFF  }
0xa5: {  	s26 =	simm.s32 $execute0_lowered;
	[smem:$0x3FD2] =	sst s25  }
0xa6: {  	s5 =	sshll.u32 s26, $0x1;
	_ =	strace $0x80000049;
	[dreg:$0x1] =	wrdreg $0xFFFFFFFF  }
0xa7: {  	s28 =	simm.s32 $_size_execute0_lowered;
	s3 =	sadd.s32 s3, s5;
	[dreg:$0x0] =	wrdreg $0x0  }
0xa8: {  	s5 =	sshll.u32 s28, $0x1;
	[dreg:$0x2] =	wrdreg s3  }
0xa9: {  	[dreg:$0x3] =	wrdreg s5  }
0xaa: {  	[dreg:$0x4] =	wrdreg $0xC0  }
0xab: {  	_ =	task [dreg:s7], $0x5FFFF  }
0xac: {  	[dreg:$0x1] =	wrdreg $0xFFFFFFFF  }
0xad: {  	[dreg:$0x0] =	wrdreg $0x60  }
0xae: {  	[dreg:$0x2] =	wrdreg s2  }
0xaf: {  	[dreg:$0x3] =	wrdreg s24  }
0xb0: {  	[dreg:$0x4] =	wrdreg $0x28400  }
0xb1: {  	[dreg:$0x5] =	wrdreg $0x9  }
0xb2: {  	_ =	task.clear_ibuf [dreg:s7], $0x6FFFF;
	_ =	strace $0x90000049  }
0xb3: {  	s29 =	simm.s32 $0x9;
	_ =	strace $0x8000004B  }
0xb4: {  	_ =	swait.ge [sflag:s29], $0x1  }
0xb5: {  	[sflag:s29] =	ssyncadd.s32 $0xFFFFFFFF  }
0xb6: {  	_ =	strace $0x9000004B  }
0xb7: {  	_ =	sfence  }
0xb8: {  	s30 =	sld [smem:$0x0];
	_ =	sdelay $0x2  }
0xb9: {  	s31 =	sshll.u32 s1, $0xD;
	s1 =	sshrl.u32 s1, $0x2  }
0xba: {  	s3 =	sand.u32 $0x4000, s31;
	s1 =	sadd.s32 s1, s30  }
0xbb: {  	s0 =	sor.u32 s3, s0;
	s1 =	sshll.u32 s1, $0x11  }
0xbc: {  	s0 =	sor.u32 s1, s0  }
0xbd: {  	s0 =	sadd.s32 $0x8F2B, s0  }
0xbe: {  	[sflag:s0] =	ssyncadd.remote.s32 $0x1  }
0xbf: {  	_ =	sfence.sel $0xFFFF  }
0xc0: {  	[dreg:$0x0] =	wrdreg $0xFFFFFFFF;
	(pc) =	sbr.abs _section_cstart, $3  }
0xc1: {  	[dreg:$0x1] =	wrdreg $0xFFFFFFFF  }
0xc2: {  	_ =	task.clear_ibuf [dreg:s7], $0x2FFFF;
	_ =	strace $0x9FFFFFFF  }
0xc3: {  	(tm) =	ssettm $0x7FFFFFFF  }
tec
execute0_lowered:
.L_overlay_start_1:
0x0: {  	(tag) =	ssettag $0x1  }
0x1: {  	s5 =	srdreg.scid;
	s0 =	stileid.u32  }
0x2: {  	s20 =	sand.u32 $0x1, s5;
	s9 =	smul.u32 $0x7D00, s0  }
0x3: {  	s11 =	sor.u32 $0x10, s0;
	s7 =	smul.u32 $0x186A0, s20  }
0x4: {  	s1 =	rddreg [dreg:$0x0];
	s12 =	sor.u32 $0x20, s0;
	s10 =	smul.u32 $0x7D00, s11  }
0x5: {  	s6 =	rddreg [dreg:$0x1];
	s14 =	sor.u32 $0x30, s0;
	s13 =	smul.u32 $0x7D00, s12  }
0x6: {  	s3 =	rddreg [dreg:$0x2];
	s16 =	sor.u32 $0x40, s0;
	s15 =	smul.u32 $0x7D00, s14  }
0x7: {  	s4 =	simm.s32 $0x0;
	s18 =	sor.u32 $0x50, s0;
	s17 =	smul.u32 $0x7D00, s16  }
0x8: {  	[smem:$0x7FF] =	sst s4;
	s23 =	sor.u32 $0x60, s0;
	s19 =	smul.u32 $0x7D00, s18  }
0x9: {  	s25 =	sshll.u32 s0, $0x5;
	s2 =	sadd.s32 $0x3600, s6;
	s24 =	smul.u32 $0x7D00, s23  }
0xa: {  	_ =	strace $0x8000004A;
	s22 =	sadd.s32 s25, s6;
	s25 =	smul.u32 $0x3E8, s0  }
0xb: {  	[dreg:$0x4] =	wrdreg s2;
	s26 =	ssub.s32 $0x2, s20;
	s5 =	smul.u32 $0x3E8, s12  }
0xc: {  	p0 =	sgt.u32 s23, $0x63;
	s8 =	sshrl.u32 s26, $0x1;
	s29 =	sshrl.u32 s9, $0x2  }
0xd: {  	s7 =	sadd.s32 s7, s6;
	s8 =	ssub.s32 s26, s8;
	s6 =	sshll.u32 s0, $0x1  }
0xe: {  	s30 =	sshrl.u32 s10, $0x2;
	s31 =	sshrl.u32 s13, $0x2;
	s26 =	smul.u32 $0x3E8, s11  }
0xf: {  	s0 =	sshrl.u32 s15, $0x2;
	s2 =	sshrl.u32 s17, $0x2;
	s15 =	smul.u32 $0x3E8, s14  }
0x10: {  	s24 =	sshrl.u32 s24, $0x2;
	s21 =	sadd.s32 $0xDF400, s7;
	s28 =	smax.u32 s8, $0x1  }
0x11: {  	s8 =	sadd.s32 s29, s3;
	s9 =	sadd.s32 s30, s3;
	s10 =	sadd.s32 s31, s3  }
0x12: {  	s11 =	sadd.s32 s0, s3;
	s12 =	sadd.s32 s2, s3;
	s29 =	smul.u32 $0x3E8, s18  }
0x13: {  	s7 =	sshrl.u32 s19, $0x2;
	s14 =	sadd.s32 s24, s3;
	s30 =	smul.u32 $0x3E8, s23  }
0x14: {  	s31 =	sshll.u32 s20, $0x4;
	s23 =	simm.s32 $0x900;
	s24 =	simm.s32 $0x3  }
0x15: {  	[dreg:$0x5] =	wrdreg s28;
	s13 =	sadd.s32 s7, s3;
	s28 =	smul.u32 $0x3E8, s16  }
0x16: {  	s0 =	sadd.s32 s25, s21;
	s16 =	sadd.s32 s26, s21;
	s17 =	sadd.s32 s5, s21  }
0x17: {  	s18 =	sadd.s32 s15, s21;
	s22 =	sadd.s32 s31, s22;
	s25 =	simm.s32 $0x4  }
0x18: {  	s26 =	simm.s32 $0x0;
	[dreg:$0x6] =	wrdreg s0;
	s20 =	sadd.s32 s29, s21  }
0x19: {  	s22 =	sadd.s32 $0x7D880, s22;
	s19 =	sadd.s32 s28, s21;
	s21 =	sadd.s32 s30, s21  }
.LBB2_1:
0x1a: {  	s0 =	rddreg [dreg:$0x4]  }
0x1b: {  	[tilespmem:s23], [sflag:$0x3] =	stream.linear.gather [hbm4b:s0+s4], $0x1F40, $0x38;
	[tilespmem:$0xEB90] =	vst v63  }
0x1c: {  	_ =	swait.ge [sflag:s24], $0x1F40  }
0x1d: {  	[sflag:s24] =	ssyncset.done $0x0  }
0x1e: {  	[sflag:s24] =	ssyncadd.s32 $0xFFFFE0C0  }
0x1f: {  	[spmem:s8] =	stream.linear.scatter [tilespmem:s23], [sflag:$0x3], $0x1F40, $0x38;
	[tilespmem:$0xEB90] =	vst v63  }
0x20: {  	_ =	swait.ge [sflag:s24], $0x1F40  }
0x21: {  	[sflag:s24] =	ssyncset.done $0x0  }
0x22: {  	[sflag:s24] =	ssyncadd.s32 $0xFFFFE0C0  }
0x23: {  	[spmem:s9] =	stream.linear.scatter [tilespmem:s23], [sflag:$0x3], $0x1F40, $0x38;
	[tilespmem:$0xEB90] =	vst v63  }
0x24: {  	_ =	swait.ge [sflag:s24], $0x1F40  }
0x25: {  	[sflag:s24] =	ssyncset.done $0x0  }
0x26: {  	[sflag:s24] =	ssyncadd.s32 $0xFFFFE0C0  }
0x27: {  	[spmem:s10] =	stream.linear.scatter [tilespmem:s23], [sflag:$0x3], $0x1F40, $0x38;
	[tilespmem:$0xEB90] =	vst v63  }
0x28: {  	_ =	swait.ge [sflag:s24], $0x1F40  }
0x29: {  	[sflag:s24] =	ssyncset.done $0x0  }
0x2a: {  	[sflag:s24] =	ssyncadd.s32 $0xFFFFE0C0  }
0x2b: {  	[spmem:s11] =	stream.linear.scatter [tilespmem:s23], [sflag:$0x3], $0x1F40, $0x38;
	[tilespmem:$0xEB90] =	vst v63  }
0x2c: {  	_ =	swait.ge [sflag:s24], $0x1F40  }
0x2d: {  	[sflag:s24] =	ssyncset.done $0x0  }
0x2e: {  	[sflag:s24] =	ssyncadd.s32 $0xFFFFE0C0  }
0x2f: {  	[spmem:s12] =	stream.linear.scatter [tilespmem:s23], [sflag:$0x3], $0x1F40, $0x38;
	[tilespmem:$0xEB90] =	vst v63  }
0x30: {  	_ =	swait.ge [sflag:s24], $0x1F40  }
0x31: {  	[sflag:s24] =	ssyncset.done $0x0  }
0x32: {  	[sflag:s24] =	ssyncadd.s32 $0xFFFFE0C0  }
0x33: {  	[spmem:s13] =	stream.linear.scatter [tilespmem:s23], [sflag:$0x3], $0x1F40, $0x38;
	[tilespmem:$0xEB90] =	vst v63  }
0x34: {  	_ =	swait.ge [sflag:s24], $0x1F40  }
0x35: {  	[sflag:s24] =	ssyncset.done $0x0  }
0x36: {  	s28 =	simm.s32 @!p0 $0x900;
	[sflag:s24] =	ssyncadd.s32 $0xFFFFE0C0  }
0x37: {  	[spmem:s14] =	stream.linear.scatter @!p0 [tilespmem:s28], [sflag:$0x3], $0x1F40, $0x38;
	[tilespmem:$0xEB90] =	vst v63  }
0x38: {  	s28 =	simm.s32 @!p0 $0x3  }
0x39: {  	_ =	swait.ge @!p0 [sflag:s28], $0x1F40  }
0x3a: {  	[sflag:s28] =	ssyncset.done @!p0 $0x0  }
0x3b: {  	[sflag:s28] =	ssyncadd.s32 @!p0 $0xFFFFE0C0;
	s28 =	sadd.s32 $0x0, s6  }
0x3c: {  	[bflag:$0x0] =	sbarrier.arrive $0xFFFF;
	p1 =	sgt.u32 s28, $0x61A7  }
0x3d: {  	s28 =	sadd.s32 @!p1 $0xFFF9E580, s22;
	s29 =	simm.s32 @!p1 $0x0;
	s30 =	simm.s32 @!p1 $0x4  }
0x3e: {  	[tilespmem:s29], [sflag:$0x4] =	stream.linear.gather @!p1 [hbm4b:s28+s29], $0x80, $0x38;
	[tilespmem:$0xEB90] =	vst v63  }
0x3f: {  	_ =	swait.ge @!p1 [sflag:s30], $0x80;
	p1 =	por p1, p1  }
0x40: {  	[sflag:s30] =	ssyncset.done @!p1 $0x0  }
0x41: {  	s28 =	simm.s32 @!p1 $0x80;
	[sflag:s30] =	ssyncadd.s32 @!p1 $0xFFFFFF80  }
0x42: {  	[tilespmem:s28], [sflag:$0x4] =	stream.linear.gather @!p1 [hbm4b:s22+s29], $0x80, $0x38;
	[tilespmem:$0xEB90] =	vst v63  }
0x43: {  	_ =	swait.ge @!p1 [sflag:s30], $0x80  }
0x44: {  	[sflag:s30] =	ssyncset.done @!p1 $0x0  }
0x45: {  	s31 =	simm.s32 @!p1 $0x100;
	[sflag:s30] =	ssyncadd.s32 @!p1 $0xFFFFFF80  }
0x46: {  	[tilespmem:s31], [sflag:$0x1] =	stream.indirect.gather @!p1 [hbm4b:s1+s28], $0x8, s29, s28, $0xb8;
	[tilespmem:$0xEB90] =	vst v63  }
0x47: {  	s0 =	simm.s32 @!p1 $0x500;
	s2 =	simm.s32 @!p1 $0x1  }
0x48: {  	[tilespmem:s0], [sflag:$0x2] =	stream.indirect.gather @!p1 [hbm4b:s1+s28], $0x8, s28, s28, $0xb8;
	[tilespmem:$0xEB90] =	vst v63  }
0x49: {  	_ =	swait.ge @!p1 [sflag:s2], $0x400  }
0x4a: {  	[sflag:s2] =	ssyncset.done @!p1 $0x0  }
0x4b: {  	[sflag:s2] =	ssyncadd.s32 @!p1 $0xFFFFFC00;
	s2 =	simm.s32 @!p1 $0x2  }
0x4c: {  	_ =	swait.ge @!p1 [sflag:s2], $0x400  }
0x4d: {  	[sflag:s2] =	ssyncset.done @!p1 $0x0  }
0x4e: {  	[sflag:s2] =	ssyncadd.s32 @!p1 $0xFFFFFC00  }
0x4f: {  	[spmem:s3] =	stream.indirect.scatter.add.f32 @!p1 [tilespmem:s31], [sflag:$0x4], $0x8, s28, s28, $0xb8;
	[tilespmem:$0xEB90] =	vst v63  }
0x50: {  	_ =	swait.ge @!p1 [sflag:s30], $0x400  }
0x51: {  	s31 =	sadd.s32 $0x20, s6;
	[sflag:s30] =	ssyncset.done @!p1 $0x0  }
0x52: {  	p3 =	sgt.u32 s31, $0x61A7;
	[sflag:s30] =	ssyncadd.s32 @!p1 $0xFFFFFC00;
	s30 =	simm.s32 @!p1 $0x3  }
0x53: {  	[spmem:s3] =	stream.indirect.scatter.add.f32 @!p1 [tilespmem:s0], [sflag:$0x3], $0x8, s29, s28, $0xb8;
	[tilespmem:$0xEB90] =	vst v63  }
0x54: {  	s29 =	simm.s32 $0x40;
	s28 =	sadd.s32 $0x200, s22;
	_ =	swait.ge @!p1 [sflag:s30], $0x400  }
.LBB2_2:
0x55: {  	s0 =	sadd.s32 @!p3 $0xFFF9E580, s28  }
0x56: {  	s2 =	simm.s32 @!p3 $0x0;
	[sflag:s30] =	ssyncset.done @!p1 $0x0;
	s31 =	smov.u32 s29  }
0x57: {  	s29 =	sadd.s32 $0x20, s29;
	s5 =	simm.s32 @!p3 $0x4;
	[sflag:s30] =	ssyncadd.s32 @!p1 $0xFFFFFC00  }
0x58: {  	[tilespmem:s2], [sflag:$0x4] =	stream.linear.gather @!p3 [hbm4b:s0+s2], $0x80, $0x38;
	[tilespmem:$0xEB90] =	vst v63  }
0x59: {  	p2 =	sne.s32 s29, $0x61C0;
	p1 =	por p3, p3;
	_ =	swait.ge @!p3 [sflag:s5], $0x80  }
0x5a: {  	[sflag:s5] =	ssyncset.done @!p1 $0x0  }
0x5b: {  	s0 =	simm.s32 @!p1 $0x80;
	[sflag:s5] =	ssyncadd.s32 @!p1 $0xFFFFFF80  }
0x5c: {  	[tilespmem:s0], [sflag:$0x4] =	stream.linear.gather @!p1 [hbm4b:s28+s2], $0x80, $0x38;
	[tilespmem:$0xEB90] =	vst v63  }
0x5d: {  	_ =	swait.ge @!p1 [sflag:s5], $0x80  }
0x5e: {  	[sflag:s5] =	ssyncset.done @!p1 $0x0  }
0x5f: {  	s30 =	simm.s32 @!p1 $0x100;
	[sflag:s5] =	ssyncadd.s32 @!p1 $0xFFFFFF80  }
0x60: {  	[tilespmem:s30], [sflag:$0x1] =	stream.indirect.gather @!p1 [hbm4b:s1+s0], $0x8, s2, s0, $0xb8;
	[tilespmem:$0xEB90] =	vst v63  }
0x61: {  	s7 =	simm.s32 @!p1 $0x500;
	s15 =	simm.s32 @!p1 $0x1  }
0x62: {  	[tilespmem:s7], [sflag:$0x2] =	stream.indirect.gather @!p1 [hbm4b:s1+s0], $0x8, s0, s0, $0xb8;
	[tilespmem:$0xEB90] =	vst v63  }
0x63: {  	_ =	swait.ge @!p1 [sflag:s15], $0x400  }
0x64: {  	[sflag:s15] =	ssyncset.done @!p1 $0x0  }
0x65: {  	[sflag:s15] =	ssyncadd.s32 @!p1 $0xFFFFFC00;
	s15 =	simm.s32 @!p1 $0x2  }
0x66: {  	_ =	swait.ge @!p1 [sflag:s15], $0x400  }
0x67: {  	[sflag:s15] =	ssyncset.done @!p1 $0x0  }
0x68: {  	[sflag:s15] =	ssyncadd.s32 @!p1 $0xFFFFFC00  }
0x69: {  	[spmem:s3] =	stream.indirect.scatter.add.f32 @!p1 [tilespmem:s30], [sflag:$0x4], $0x8, s0, s0, $0xb8;
	[tilespmem:$0xEB90] =	vst v63  }
.Ltmp0:
0x6a: {  	_ =	swait.ge @!p1 [sflag:s5], $0x400;
	(pc) =	sbr.rel @p2 .LBB2_2-.Ltmp0, $4  }
0x6b: {  	[sflag:s5] =	ssyncset.done @!p1 $0x0  }
0x6c: {  	s15 =	sadd.s32 s31, s6;
	s30 =	simm.s32 @!p1 $0x3;
	[sflag:s5] =	ssyncadd.s32 @!p1 $0xFFFFFC00  }
0x6d: {  	[spmem:s3] =	stream.indirect.scatter.add.f32 @!p1 [tilespmem:s7], [sflag:$0x3], $0x8, s2, s0, $0xb8;
	[tilespmem:$0xEB90] =	vst v63  }
0x6e: {  	s28 =	sadd.s32 $0x200, s28;
	p3 =	sgt.u32 s15, $0x61A7;
	_ =	swait.ge @!p1 [sflag:s30], $0x400  }
0x6f: {  	s0 =	sadd.s32 @!p3 $0xFFF9E580, s28;
	[sflag:s30] =	ssyncset.done @!p1 $0x0  }
0x70: {  	s2 =	simm.s32 @!p3 $0x0;
	s5 =	simm.s32 @!p3 $0x4;
	[sflag:s30] =	ssyncadd.s32 @!p1 $0xFFFFFC00  }
0x71: {  	[tilespmem:s2], [sflag:$0x4] =	stream.linear.gather @!p3 [hbm4b:s0+s2], $0x80, $0x38;
	[tilespmem:$0xEB90] =	vst v63  }
0x72: {  	p1 =	por p3, p3;
	_ =	swait.ge @!p3 [sflag:s5], $0x80  }
0x73: {  	[sflag:s5] =	ssyncset.done @!p1 $0x0  }
0x74: {  	s0 =	simm.s32 @!p1 $0x80;
	[sflag:s5] =	ssyncadd.s32 @!p1 $0xFFFFFF80  }
0x75: {  	[tilespmem:s0], [sflag:$0x4] =	stream.linear.gather @!p1 [hbm4b:s28+s2], $0x80, $0x38;
	[tilespmem:$0xEB90] =	vst v63  }
0x76: {  	_ =	swait.ge @!p1 [sflag:s5], $0x80  }
0x77: {  	[sflag:s5] =	ssyncset.done @!p1 $0x0  }
0x78: {  	s7 =	simm.s32 @!p1 $0x100;
	[sflag:s5] =	ssyncadd.s32 @!p1 $0xFFFFFF80  }
0x79: {  	[tilespmem:s7], [sflag:$0x1] =	stream.indirect.gather @!p1 [hbm4b:s1+s0], $0x8, s2, s0, $0xb8;
	[tilespmem:$0xEB90] =	vst v63  }
0x7a: {  	s15 =	simm.s32 @!p1 $0x500;
	s28 =	simm.s32 @!p1 $0x1  }
0x7b: {  	[tilespmem:s15], [sflag:$0x2] =	stream.indirect.gather @!p1 [hbm4b:s1+s0], $0x8, s0, s0, $0xb8;
	[tilespmem:$0xEB90] =	vst v63  }
0x7c: {  	_ =	swait.ge @!p1 [sflag:s28], $0x400  }
0x7d: {  	[sflag:s28] =	ssyncset.done @!p1 $0x0  }
0x7e: {  	[sflag:s28] =	ssyncadd.s32 @!p1 $0xFFFFFC00;
	s28 =	simm.s32 @!p1 $0x2  }
0x7f: {  	_ =	swait.ge @!p1 [sflag:s28], $0x400  }
0x80: {  	[sflag:s28] =	ssyncset.done @!p1 $0x0  }
0x81: {  	[sflag:s28] =	ssyncadd.s32 @!p1 $0xFFFFFC00  }
0x82: {  	[spmem:s3] =	stream.indirect.scatter.add.f32 @!p1 [tilespmem:s7], [sflag:$0x4], $0x8, s0, s0, $0xb8;
	[tilespmem:$0xEB90] =	vst v63  }
0x83: {  	_ =	swait.ge @!p1 [sflag:s5], $0x400  }
0x84: {  	[sflag:s5] =	ssyncset.done @!p1 $0x0  }
0x85: {  	[sflag:s5] =	ssyncadd.s32 @!p1 $0xFFFFFC00  }
0x86: {  	[spmem:s3] =	stream.indirect.scatter.add.f32 @!p1 [tilespmem:s15], [sflag:$0x3], $0x8, s2, s0, $0xb8;
	[tilespmem:$0xEB90] =	vst v63  }
0x87: {  	s0 =	simm.s32 @!p1 $0x3  }
0x88: {  	_ =	swait.ge @!p1 [sflag:s0], $0x400  }
0x89: {  	[sflag:s0] =	ssyncset.done @!p1 $0x0  }
0x8a: {  	[sflag:s0] =	ssyncadd.s32 @!p1 $0xFFFFFC00  }
0x8b: {  	[bflag:$0x0] =	sbarrier.arrive $0xFFFF  }
0x8c: {  	[tilespmem:s23], [sflag:$0x4] =	stream.linear.gather [spmem:s8], $0x1F40, $0x38;
	[tilespmem:$0xEB90] =	vst v63  }
0x8d: {  	_ =	swait.ge [sflag:s25], $0x1F40  }
0x8e: {  	[sflag:s25] =	ssyncset.done $0x0  }
0x8f: {  	s30 =	rddreg [dreg:$0x6];
	[sflag:s25] =	ssyncadd.s32 $0xFFFFE0C0  }
0x90: {  	[hbm4b:s30+s4] =	stream.linear.scatter [tilespmem:s23], [sflag:$0x3], $0x1F40, $0x38;
	[tilespmem:$0xEB90] =	vst v63  }
0x91: {  	_ =	swait.ge [sflag:s24], $0x1F40  }
0x92: {  	[sflag:s24] =	ssyncset.done $0x0  }
0x93: {  	[sflag:s24] =	ssyncadd.s32 $0xFFFFE0C0  }
0x94: {  	[tilespmem:s23], [sflag:$0x4] =	stream.linear.gather [spmem:s9], $0x1F40, $0x38;
	[tilespmem:$0xEB90] =	vst v63  }
0x95: {  	_ =	swait.ge [sflag:s25], $0x1F40  }
0x96: {  	[sflag:s25] =	ssyncset.done $0x0  }
0x97: {  	[sflag:s25] =	ssyncadd.s32 $0xFFFFE0C0  }
0x98: {  	[hbm4b:s16+s4] =	stream.linear.scatter [tilespmem:s23], [sflag:$0x3], $0x1F40, $0x38;
	[tilespmem:$0xEB90] =	vst v63  }
0x99: {  	_ =	swait.ge [sflag:s24], $0x1F40  }
0x9a: {  	[sflag:s24] =	ssyncset.done $0x0  }
0x9b: {  	[sflag:s24] =	ssyncadd.s32 $0xFFFFE0C0  }
0x9c: {  	[tilespmem:s23], [sflag:$0x4] =	stream.linear.gather [spmem:s10], $0x1F40, $0x38;
	[tilespmem:$0xEB90] =	vst v63  }
0x9d: {  	_ =	swait.ge [sflag:s25], $0x1F40  }
0x9e: {  	[sflag:s25] =	ssyncset.done $0x0  }
0x9f: {  	[sflag:s25] =	ssyncadd.s32 $0xFFFFE0C0  }
0xa0: {  	[hbm4b:s17+s4] =	stream.linear.scatter [tilespmem:s23], [sflag:$0x3], $0x1F40, $0x38;
	[tilespmem:$0xEB90] =	vst v63  }
0xa1: {  	_ =	swait.ge [sflag:s24], $0x1F40  }
0xa2: {  	[sflag:s24] =	ssyncset.done $0x0  }
0xa3: {  	[sflag:s24] =	ssyncadd.s32 $0xFFFFE0C0  }
0xa4: {  	[tilespmem:s23], [sflag:$0x4] =	stream.linear.gather [spmem:s11], $0x1F40, $0x38;
	[tilespmem:$0xEB90] =	vst v63  }
0xa5: {  	_ =	swait.ge [sflag:s25], $0x1F40  }
0xa6: {  	[sflag:s25] =	ssyncset.done $0x0  }
0xa7: {  	[sflag:s25] =	ssyncadd.s32 $0xFFFFE0C0  }
0xa8: {  	[hbm4b:s18+s4] =	stream.linear.scatter [tilespmem:s23], [sflag:$0x3], $0x1F40, $0x38;
	[tilespmem:$0xEB90] =	vst v63  }
0xa9: {  	_ =	swait.ge [sflag:s24], $0x1F40  }
0xaa: {  	[sflag:s24] =	ssyncset.done $0x0  }
0xab: {  	[sflag:s24] =	ssyncadd.s32 $0xFFFFE0C0  }
0xac: {  	[tilespmem:s23], [sflag:$0x4] =	stream.linear.gather [spmem:s12], $0x1F40, $0x38;
	[tilespmem:$0xEB90] =	vst v63  }
0xad: {  	_ =	swait.ge [sflag:s25], $0x1F40  }
0xae: {  	[sflag:s25] =	ssyncset.done $0x0  }
0xaf: {  	[sflag:s25] =	ssyncadd.s32 $0xFFFFE0C0  }
0xb0: {  	[hbm4b:s19+s4] =	stream.linear.scatter [tilespmem:s23], [sflag:$0x3], $0x1F40, $0x38;
	[tilespmem:$0xEB90] =	vst v63  }
0xb1: {  	_ =	swait.ge [sflag:s24], $0x1F40  }
0xb2: {  	[sflag:s24] =	ssyncset.done $0x0  }
0xb3: {  	[sflag:s24] =	ssyncadd.s32 $0xFFFFE0C0  }
0xb4: {  	[tilespmem:s23], [sflag:$0x4] =	stream.linear.gather [spmem:s13], $0x1F40, $0x38;
	[tilespmem:$0xEB90] =	vst v63  }
0xb5: {  	_ =	swait.ge [sflag:s25], $0x1F40  }
0xb6: {  	[sflag:s25] =	ssyncset.done $0x0  }
0xb7: {  	[sflag:s25] =	ssyncadd.s32 $0xFFFFE0C0  }
0xb8: {  	[hbm4b:s20+s4] =	stream.linear.scatter [tilespmem:s23], [sflag:$0x3], $0x1F40, $0x38;
	[tilespmem:$0xEB90] =	vst v63  }
0xb9: {  	_ =	swait.ge [sflag:s24], $0x1F40  }
0xba: {  	[sflag:s24] =	ssyncset.done $0x0  }
0xbb: {  	s2 =	simm.s32 @!p0 $0x4;
	s0 =	simm.s32 @!p0 $0x900;
	[sflag:s24] =	ssyncadd.s32 $0xFFFFE0C0  }
0xbc: {  	[tilespmem:s0], [sflag:$0x4] =	stream.linear.gather @!p0 [spmem:s14], $0x1F40, $0x38;
	[tilespmem:$0xEB90] =	vst v63  }
0xbd: {  	_ =	swait.ge @!p0 [sflag:s2], $0x1F40  }
0xbe: {  	[sflag:s2] =	ssyncset.done @!p0 $0x0  }
0xbf: {  	[sflag:s2] =	ssyncadd.s32 @!p0 $0xFFFFE0C0;
	s2 =	simm.s32 @!p0 $0x0  }
0xc0: {  	[hbm4b:s21+s2] =	stream.linear.scatter @!p0 [tilespmem:s0], [sflag:$0x3], $0x1F40, $0x38;
	[tilespmem:$0xEB90] =	vst v63  }
0xc1: {  	s0 =	simm.s32 @!p0 $0x3  }
0xc2: {  	_ =	swait.ge @!p0 [sflag:s0], $0x1F40  }
0xc3: {  	s26 =	sadd.s32 $0x1, s26;
	s31 =	rddreg [dreg:$0x5]  }
0xc4: {  	p1 =	sne.s32 s26, s31  }
.Ltmp1:
0xc5: {  	_ = 	snop;
	(pc) =	sbr.rel @p1 .LBB2_1-.Ltmp1, $3  }
0xc6: {  	_ =	sdelay $0x1  }
0xc7: {  	[sflag:s0] =	ssyncset.done @!p0 $0x0  }
0xc8: {  	[sflag:s0] =	ssyncadd.s32 @!p0 $0xFFFFE0C0  }
0xc9: {  	_ =	sfence.sel $0x180000  }
0xca: {  	[bflag:$0x0] =	sbarrier.arrive $0xFFFF  }
0xcb: {  	_ =	strace $0x9000004A  }
0xcc: {  	s0 =	stileid.u32;
	[bflag:$0x2] =	sbarrier.arrive $0xFFFF  }
0xcd: {  	p0 =	sne.s32 s0, $0x0;
	s0 =	rddreg [dreg:$0x3]  }
0xce: {  	s0 =	sadd.s32 @!p0 $0x100000, s0  }
0xcf: {  	[sflag:s0] =	ssyncadd.tile.s32 @!p0 $0x1;
	_ =	shalt  }
.Lfunc_end2:
_tile_overlayer_lowered:
.L_overlay_start_2:
0xd0: {  	(tag) =	ssettag $0x2  }
0xd1: {  	s0 =	rddreg [dreg:$0x0];
	s2 =	stileid.u32  }
0xd2: {  	s1 =	rddreg [dreg:$0x1];
	p0 =	sne.s32 s2, $0x0  }
0xd3: {  	s3 =	rddreg [dreg:$0x2];
	[bflag:$0x3] =	sbarrier.arrive $0xFFFF;
	s2 =	simm.s32 @!p0 $0x1C03  }
0xd4: {  	[timem:s3], [sflag:s2] =	dma.local @!p0 [hbm:s0], s1  }
0xd5: {  	s0 =	simm.s32 @!p0 $0x3  }
0xd6: {  	_ =	swait.ge @!p0 [sflag:s0], s1  }
0xd7: {  	s1 =	ssub.s32 @!p0 $0x0, s1;
	[sflag:s0] =	ssyncset.done @!p0 $0x0  }
0xd8: {  	[sflag:s0] =	ssyncadd.s32 @!p0 s1  }
0xd9: {  	[bflag:$0x3] =	sbarrier.arrive $0xFFFF  }
0xda: {  	_ =	shalt  }

</sc_bundles>
